<compile_context>
chip_gen: v7x
topology: tpu7x:2x2x1
jax: 0.10.2.dev20260603
libtpu: 0.0.44.dev20260713+nightly
codegen_flags: <defaults>
</compile_context>

<pallas_src>
import numpy as np

import jax
import jax.numpy as jnp
from jax import lax
from jax.experimental import pallas as pl
from jax.experimental.pallas import tpu as pltpu
from jax.experimental.pallas import tpu_sc as plsc

_VOCAB = 1000000
_HIDDEN = 16
_BATCH = 4096
_SEQ = 200
_B = _BATCH * _SEQ
_NC = 2
_NS = 16
_NW = _NC * _NS

_TTC = 8192
_TTR = _TTC * _HIDDEN // 128
_TTG = (_VOCAB + _TTC - 1) // _TTC

_GCH = 1024
_NGCH = _B // _GCH
_GPW = _NGCH // _NW

_OCH = 16
_OTG = _B // (128 * _OCH)

_M_NP = np.zeros((8, 16, 128), np.float32)
for _t in range(8):
    for _h in range(16):
        _M_NP[_t, _h, 16 * _t + _h] = 1.0
_M2_NP = np.zeros((8, 16, 128), np.float32)
for _bb in range(8):
    for _a in range(16):
        _M2_NP[_bb, _a, 8 * _a + _bb] = 1.0


def _table_t_body(e_ref, m_ref, out_ref):
    x = e_ref[...]
    xt3 = x.T.reshape(_TTR, 8, 16)
    out_ref[...] = jnp.concatenate(
        [xt3[:, t, :].reshape(_TTR, 16) for t in range(8)], axis=1
    )


_table_t = pl.pallas_call(
    _table_t_body,
    grid=(_TTG,),
    in_specs=[
        pl.BlockSpec((_HIDDEN, _TTC), lambda i: (0, i)),
        pl.BlockSpec((8, 16, 128), lambda i: (0, 0, 0)),
    ],
    out_specs=pl.BlockSpec((_TTR, 128), lambda i: (i, 0)),
    out_shape=jax.ShapeDtypeStruct((_VOCAB * _HIDDEN // 128, 128), jnp.float32),
)


def _out_t_body(g_ref, m_ref, out_ref):
    for c in range(_OCH):
        x = g_ref[pl.ds(16 * c, 16), :]
        xt3 = x.T.reshape(8, 16, 16)
        acc = None
        for bb in range(8):
            p = jnp.dot(xt3[bb], m_ref[bb], preferred_element_type=jnp.float32)
            acc = p if acc is None else acc + p
        out_ref[:, pl.ds(8 * c, 8), :] = acc.reshape(2, 8, 128)


_out_t = pl.pallas_call(
    _out_t_body,
    grid=(_OTG,),
    in_specs=[
        pl.BlockSpec((16 * _OCH, 128), lambda i: (i, 0)),
        pl.BlockSpec((8, 16, 128), lambda i: (0, 0, 0)),
    ],
    out_specs=pl.BlockSpec((2, 8 * _OCH, 128), lambda i: (0, i, 0)),
    out_shape=jax.ShapeDtypeStruct((2, _B // 128 * 8, 128), jnp.float32),
)


def _make_gather_sc():
    import functools

    mesh = plsc.VectorSubcoreMesh(core_axis_name="c", subcore_axis_name="s")

    @functools.partial(
        pl.kernel,
        mesh=mesh,
        out_type=jax.ShapeDtypeStruct((_NGCH, _GCH, _HIDDEN), jnp.float32),
        scratch_types=[
            pltpu.VMEM((_GCH,), jnp.int32),
            pltpu.VMEM((_GCH, _HIDDEN), jnp.float32),
            pltpu.SemaphoreType.DMA,
        ],
        compiler_params=pltpu.CompilerParams(use_tc_tiling_on_sc=False),
    )
    def gather_kernel(table_hbm, idx_hbm, out_hbm, idx_v, rows_v, sem):
        wid = lax.axis_index("s") * _NC + lax.axis_index("c")
        chunk_base = wid * _GPW

        def chunk_body(i, carry):
            j = chunk_base + i
            pltpu.sync_copy(idx_hbm.at[pl.ds(j * _GCH, _GCH)], idx_v)
            pltpu.async_copy(table_hbm.at[idx_v], rows_v, sem).wait()
            pltpu.sync_copy(rows_v, out_hbm.at[j])
            return carry

        lax.fori_loop(0, _GPW, chunk_body, 0)

    return gather_kernel


_gather_sc = _make_gather_sc()


def kernel(inputs, embeddings):
    m1 = jnp.asarray(_M_NP)
    m2 = jnp.asarray(_M2_NP)
    tt = _table_t(embeddings.T, m1)
    table = tt.reshape(_VOCAB, _HIDDEN)
    g = _gather_sc(table, inputs.reshape(_B))
    x = _out_t(g.reshape(_B * _HIDDEN // 128, 128), m2)
    out2d = (
        x.reshape(2, _B // 128, 8, 128)
        .transpose(0, 2, 1, 3)
        .reshape(_HIDDEN, _B)
        .T
    )
    return out2d.reshape(_BATCH, _SEQ, _HIDDEN)

# --- scband reference (transcript-rebuilt; emitter-appended) ---
"""Pipeline reference for scband-top-kfrozen-embeddings-29953101923041 (READ-ONLY COPY).

The authoritative reference and input builder live on the scoring server;
editing this copy changes nothing except your own understanding.
"""

import jax, jax.numpy as jnp
import numpy as np

VOCAB = 1000000
HIDDEN = 16
BATCH = 4096
SEQ = 200


def setup_inputs(seed: int = 0) -> dict:
    key = jax.random.key(seed)
    k1, k2 = jax.random.split(key)
    inputs = jax.random.randint(k1, (BATCH, SEQ), 0, VOCAB, dtype=jnp.int32)
    # Frozen embedding table, normally installed via set_embeddings_matrix().
    embeddings = jax.random.normal(k2, (VOCAB, HIDDEN), dtype=jnp.float32)
    return {"inputs": inputs, "embeddings": embeddings}


def reference(inputs, embeddings):
    # mode == 'embedding' path of TopKFrozenEmbeddings.call:
    #   return tf.gather(self.embeddings, input_ids)
    return jnp.take(embeddings, inputs, axis=0)

if __name__ == "__main__":
    import jax
    _d = setup_inputs()
    print(jax.jit(kernel)(*tuple(_d.values())))

</pallas_src>

<mosaic_0001>
#map = affine_map<(d0, d1) -> (0, 0)>
#map1 = affine_map<(d0, d1) -> (0)>
#map2 = affine_map<(d0, d1) -> (0, 0, 0)>
module attributes {stable_mosaic.version = 14 : i64} {
  func.func @gather_kernel(%arg0: i32, %arg1: i32, %arg2: memref<1000000x16xf32, #tpu.memory_space<hbm>>, %arg3: memref<819200xi32, #tpu.memory_space<hbm>>, %arg4: memref<800x1024x16xf32, #tpu.memory_space<hbm>>, %arg5: memref<1024xi32, #tpu.memory_space<vmem>>, %arg6: memref<1024x16xf32, #tpu.memory_space<vmem>>, %arg7: memref<!tpu.dma_semaphore, #tpu.memory_space<semaphore_mem>>) attributes {dimension_semantics = [#tpu.dimension_semantics<core_parallel>, #tpu.dimension_semantics<subcore_parallel>], iteration_bounds = array<i64: 2, 16>, scalar_prefetch = 0 : i64, scratch_operands = 3 : i64, tpu.core_type = #tpu.core_type<sc_vector_subcore>, window_params = [{transform_indices = #map}, {transform_indices = #map1}, {transform_indices = #map2}]} {
    %mul3A = arith.constant 2 : i32
    %mul3A_0 = arith.muli %arg1, %mul3A : i32
    %add3A = arith.addi %mul3A_0, %arg0 : i32
    %mul3A_1 = arith.constant 25 : i32
    %mul3A_2 = arith.muli %add3A, %mul3A_1 : i32
    %scan3A = arith.constant 0 : i32
    %scan3A_3 = arith.constant 0 : i32
    %scan3A_4 = arith.constant 25 : i32
    %scan3A_5 = arith.addi %scan3A_3, %scan3A_4 : i32
    %scan3A_6 = arith.constant 1 : i32
    scf.for %scan3A_8 = %scan3A_3 to %scan3A_5 step %scan3A_6  : i32 {
      %add3A_9 = arith.addi %mul3A_2, %scan3A_8 : i32
      %mul3A_10 = arith.constant 1024 : i32
      %mul3A_11 = arith.muli %add3A_9, %mul3A_10 : i32
      "tpu.region"() ({
        %run_scoped3A = tpu.sem_alloc : memref<!tpu.dma_semaphore, #tpu.memory_space<semaphore_mem>>
        %dma_start3A_16 = tpu.memref_slice %arg3[%mul3A_11] : memref<819200xi32, #tpu.memory_space<hbm>> -> memref<1024xi32, #tpu.memory_space<hbm>>
        %dma_start3A_17 = tpu.memref_slice %arg3[%mul3A_11] : memref<819200xi32, #tpu.memory_space<hbm>> -> memref<1024xi32, #tpu.memory_space<hbm>>
        tpu.enqueue_dma source(%dma_start3A_17 : memref<1024xi32, #tpu.memory_space<hbm>>) target(%arg5 : memref<1024xi32, #tpu.memory_space<vmem>>) target_semaphore(%run_scoped3A : memref<!tpu.dma_semaphore, #tpu.memory_space<semaphore_mem>>)
        %dma_wait3A_18 = tpu.memref_slice %arg3[%mul3A_11] : memref<819200xi32, #tpu.memory_space<hbm>> -> memref<1024xi32, #tpu.memory_space<hbm>>
        %dma_wait3A_19 = tpu.memref_slice %arg3[%mul3A_11] : memref<819200xi32, #tpu.memory_space<hbm>> -> memref<1024xi32, #tpu.memory_space<hbm>>
        tpu.wait_dma2 semaphore(%run_scoped3A : memref<!tpu.dma_semaphore, #tpu.memory_space<semaphore_mem>>) src(%dma_wait3A_19 : memref<1024xi32, #tpu.memory_space<hbm>>) dst(%arg5 : memref<1024xi32, #tpu.memory_space<vmem>>)
        tpu.yield
      }) : () -> ()
      %dma_start3A = arith.constant 0 : i32
      %dma_start3A_12 = arith.constant 0 : i32
      %dma_start3A_13 = tpu.memref_slice %arg2[%dma_start3A, %dma_start3A_12] : memref<1000000x16xf32, #tpu.memory_space<hbm>> -> memref<1000000x16xf32, #tpu.memory_space<hbm>>
      tpu.enqueue_indirect_dma source(%dma_start3A_13 : memref<1000000x16xf32, #tpu.memory_space<hbm>>) target(%arg6 : memref<1024x16xf32, #tpu.memory_space<vmem>>) offsets(%arg5 : memref<1024xi32, #tpu.memory_space<vmem>>) semaphore(%arg7 : memref<!tpu.dma_semaphore, #tpu.memory_space<semaphore_mem>>)
      %dma_wait3A = arith.constant 0 : i32
      %dma_wait3A_14 = arith.constant 0 : i32
      %dma_wait3A_15 = tpu.memref_slice %arg2[%dma_wait3A, %dma_wait3A_14] : memref<1000000x16xf32, #tpu.memory_space<hbm>> -> memref<1000000x16xf32, #tpu.memory_space<hbm>>
      tpu.wait_indirect_dma semaphore(%arg7 : memref<!tpu.dma_semaphore, #tpu.memory_space<semaphore_mem>>) src(%dma_wait3A_15 : memref<1000000x16xf32, #tpu.memory_space<hbm>>) dst(%arg6 : memref<1024x16xf32, #tpu.memory_space<vmem>>)
      "tpu.region"() ({
        %run_scoped3A = tpu.sem_alloc : memref<!tpu.dma_semaphore, #tpu.memory_space<semaphore_mem>>
        %dma_start3A_16 = arith.constant 0 : i32
        %dma_start3A_17 = arith.constant 0 : i32
        %dma_start3A_18 = tpu.memref_slice %arg4[%add3A_9, %dma_start3A_16, %dma_start3A_17] : memref<800x1024x16xf32, #tpu.memory_space<hbm>> -> memref<1x1024x16xf32, #tpu.memory_space<hbm>>
        %dma_start3A_19 = tpu.memref_squeeze %dma_start3A_18 : memref<1x1024x16xf32, #tpu.memory_space<hbm>> -> memref<1024x16xf32, #tpu.memory_space<hbm>>
        %dma_start3A_20 = arith.constant 0 : i32
        %dma_start3A_21 = arith.constant 0 : i32
        %dma_start3A_22 = tpu.memref_slice %arg4[%add3A_9, %dma_start3A_20, %dma_start3A_21] : memref<800x1024x16xf32, #tpu.memory_space<hbm>> -> memref<1x1024x16xf32, #tpu.memory_space<hbm>>
        %dma_start3A_23 = tpu.memref_squeeze %dma_start3A_22 : memref<1x1024x16xf32, #tpu.memory_space<hbm>> -> memref<1024x16xf32, #tpu.memory_space<hbm>>
        tpu.enqueue_dma source(%arg6 : memref<1024x16xf32, #tpu.memory_space<vmem>>) target(%dma_start3A_23 : memref<1024x16xf32, #tpu.memory_space<hbm>>) target_semaphore(%run_scoped3A : memref<!tpu.dma_semaphore, #tpu.memory_space<semaphore_mem>>)
        %dma_wait3A_24 = arith.constant 0 : i32
        %dma_wait3A_25 = arith.constant 0 : i32
        %dma_wait3A_26 = tpu.memref_slice %arg4[%add3A_9, %dma_wait3A_24, %dma_wait3A_25] : memref<800x1024x16xf32, #tpu.memory_space<hbm>> -> memref<1x1024x16xf32, #tpu.memory_space<hbm>>
        %dma_wait3A_27 = tpu.memref_squeeze %dma_wait3A_26 : memref<1x1024x16xf32, #tpu.memory_space<hbm>> -> memref<1024x16xf32, #tpu.memory_space<hbm>>
        %dma_wait3A_28 = arith.constant 0 : i32
        %dma_wait3A_29 = arith.constant 0 : i32
        %dma_wait3A_30 = tpu.memref_slice %arg4[%add3A_9, %dma_wait3A_28, %dma_wait3A_29] : memref<800x1024x16xf32, #tpu.memory_space<hbm>> -> memref<1x1024x16xf32, #tpu.memory_space<hbm>>
        %dma_wait3A_31 = tpu.memref_squeeze %dma_wait3A_30 : memref<1x1024x16xf32, #tpu.memory_space<hbm>> -> memref<1024x16xf32, #tpu.memory_space<hbm>>
        tpu.wait_dma2 semaphore(%run_scoped3A : memref<!tpu.dma_semaphore, #tpu.memory_space<semaphore_mem>>) src(%arg6 : memref<1024x16xf32, #tpu.memory_space<vmem>>) dst(%dma_wait3A_31 : memref<1024x16xf32, #tpu.memory_space<hbm>>)
        tpu.yield
      }) : () -> ()
    }
    %scan3A_7 = arith.constant 25 : i32
    return
  }
}

module attributes {stable_mosaic.version = 14 : i64} {
  func.func @_table_t_body(%arg0: i32, %arg1: memref<16x8192xf32, #tpu.memory_space<vmem>>, %arg2: memref<8x16x128xf32, #tpu.memory_space<vmem>>, %arg3: memref<1024x128xf32, #tpu.memory_space<vmem>>) attributes {dimension_semantics = [#tpu.dimension_semantics<arbitrary>], iteration_bounds = array<i64: 123>, scalar_prefetch = 0 : i64, scratch_operands = 0 : i64, tpu.core_type = #tpu.core_type<tc>, window_params = [{transform_indices = @transform_0, window_bounds = array<i64: 16, 8192>}, {pipeline_mode = #tpu.pipeline_mode<synchronous>, transform_indices = @transform_1, window_bounds = array<i64: 8, 16, 128>}, {transform_indices = @transform_2, window_bounds = array<i64: 1024, 128>}]} {
    %get3A = arith.constant 0 : index
    %get3A_0 = arith.constant 0 : index
    %get3A_1 = vector.load %arg1[%get3A, %get3A_0] : memref<16x8192xf32, #tpu.memory_space<vmem>>, vector<16x8192xf32>
    %transpose3A = tpu.transpose %get3A_1, [1, 0] : vector<16x8192xf32> -> vector<8192x16xf32>
    %reshape3A = vector.shape_cast %transpose3A : vector<8192x16xf32> to vector<1024x8x16xf32>
    %slice3A = vector.extract_strided_slice %reshape3A {offsets = [0, 0, 0], sizes = [1024, 1, 16], strides = [1, 1, 1]} : vector<1024x8x16xf32> to vector<1024x1x16xf32>
    %squeeze3A = vector.shape_cast %slice3A : vector<1024x1x16xf32> to vector<1024x16xf32>
    %slice3A_2 = vector.extract_strided_slice %reshape3A {offsets = [0, 1, 0], sizes = [1024, 1, 16], strides = [1, 1, 1]} : vector<1024x8x16xf32> to vector<1024x1x16xf32>
    %squeeze3A_3 = vector.shape_cast %slice3A_2 : vector<1024x1x16xf32> to vector<1024x16xf32>
    %slice3A_4 = vector.extract_strided_slice %reshape3A {offsets = [0, 2, 0], sizes = [1024, 1, 16], strides = [1, 1, 1]} : vector<1024x8x16xf32> to vector<1024x1x16xf32>
    %squeeze3A_5 = vector.shape_cast %slice3A_4 : vector<1024x1x16xf32> to vector<1024x16xf32>
    %slice3A_6 = vector.extract_strided_slice %reshape3A {offsets = [0, 3, 0], sizes = [1024, 1, 16], strides = [1, 1, 1]} : vector<1024x8x16xf32> to vector<1024x1x16xf32>
    %squeeze3A_7 = vector.shape_cast %slice3A_6 : vector<1024x1x16xf32> to vector<1024x16xf32>
    %slice3A_8 = vector.extract_strided_slice %reshape3A {offsets = [0, 4, 0], sizes = [1024, 1, 16], strides = [1, 1, 1]} : vector<1024x8x16xf32> to vector<1024x1x16xf32>
    %squeeze3A_9 = vector.shape_cast %slice3A_8 : vector<1024x1x16xf32> to vector<1024x16xf32>
    %slice3A_10 = vector.extract_strided_slice %reshape3A {offsets = [0, 5, 0], sizes = [1024, 1, 16], strides = [1, 1, 1]} : vector<1024x8x16xf32> to vector<1024x1x16xf32>
    %squeeze3A_11 = vector.shape_cast %slice3A_10 : vector<1024x1x16xf32> to vector<1024x16xf32>
    %slice3A_12 = vector.extract_strided_slice %reshape3A {offsets = [0, 6, 0], sizes = [1024, 1, 16], strides = [1, 1, 1]} : vector<1024x8x16xf32> to vector<1024x1x16xf32>
    %squeeze3A_13 = vector.shape_cast %slice3A_12 : vector<1024x1x16xf32> to vector<1024x16xf32>
    %slice3A_14 = vector.extract_strided_slice %reshape3A {offsets = [0, 7, 0], sizes = [1024, 1, 16], strides = [1, 1, 1]} : vector<1024x8x16xf32> to vector<1024x1x16xf32>
    %squeeze3A_15 = vector.shape_cast %slice3A_14 : vector<1024x1x16xf32> to vector<1024x16xf32>
    %concatenate3A = tpu.concatenate %squeeze3A, %squeeze3A_3, %squeeze3A_5, %squeeze3A_7, %squeeze3A_9, %squeeze3A_11, %squeeze3A_13, %squeeze3A_15 in 1 : vector<1024x16xf32>, vector<1024x16xf32>, vector<1024x16xf32>, vector<1024x16xf32>, vector<1024x16xf32>, vector<1024x16xf32>, vector<1024x16xf32>, vector<1024x16xf32> -> vector<1024x128xf32>
    %swap3A = arith.constant 0 : index
    %swap3A_16 = arith.constant 0 : index
    %swap3A_17 = vector.load %arg3[%swap3A, %swap3A_16] : memref<1024x128xf32, #tpu.memory_space<vmem>>, vector<1024x128xf32>
    tpu.vector_store %arg3[%swap3A, %swap3A_16], %concatenate3A {strides = array<i32>} : memref<1024x128xf32, #tpu.memory_space<vmem>>, vector<1024x128xf32>,
    return
  }
  func.func @transform_0(%arg0: i32) -> (i32, i32) {
    %c0_i32 = arith.constant 0 : i32
    %c0_i32_0 = arith.constant 0 : i32
    return %c0_i32, %arg0 : i32, i32
  }
  func.func @transform_1(%arg0: i32) -> (i32, i32, i32) {
    %c0_i32 = arith.constant 0 : i32
    %c0_i32_0 = arith.constant 0 : i32
    %c0_i32_1 = arith.constant 0 : i32
    %c0_i32_2 = arith.constant 0 : i32
    return %c0_i32, %c0_i32_0, %c0_i32_1 : i32, i32, i32
  }
  func.func @transform_2(%arg0: i32) -> (i32, i32) {
    %c0_i32 = arith.constant 0 : i32
    %c0_i32_0 = arith.constant 0 : i32
    return %arg0, %c0_i32 : i32, i32
  }
}

module attributes {stable_mosaic.version = 14 : i64} {
  func.func @_out_t_body(%arg0: i32, %arg1: memref<256x128xf32, #tpu.memory_space<vmem>>, %arg2: memref<8x16x128xf32, #tpu.memory_space<vmem>>, %arg3: memref<2x128x128xf32, #tpu.memory_space<vmem>>) attributes {dimension_semantics = [#tpu.dimension_semantics<arbitrary>], iteration_bounds = array<i64: 400>, scalar_prefetch = 0 : i64, scratch_operands = 0 : i64, tpu.core_type = #tpu.core_type<tc>, window_params = [{transform_indices = @transform_0, window_bounds = array<i64: 256, 128>}, {pipeline_mode = #tpu.pipeline_mode<synchronous>, transform_indices = @transform_1, window_bounds = array<i64: 8, 16, 128>}, {transform_indices = @transform_2, window_bounds = array<i64: 2, 128, 128>}]} {
    %get3A = arith.constant 0 : index
    %get3A_0 = arith.constant 0 : index
    %get3A_1 = vector.load %arg1[%get3A, %get3A_0] : memref<256x128xf32, #tpu.memory_space<vmem>>, vector<16x128xf32>
    %transpose3A = tpu.transpose %get3A_1, [1, 0] : vector<16x128xf32> -> vector<128x16xf32>
    %reshape3A = vector.shape_cast %transpose3A : vector<128x16xf32> to vector<8x16x16xf32>
    %slice3A = vector.extract_strided_slice %reshape3A {offsets = [0, 0, 0], sizes = [1, 16, 16], strides = [1, 1, 1]} : vector<8x16x16xf32> to vector<1x16x16xf32>
    %squeeze3A = vector.shape_cast %slice3A : vector<1x16x16xf32> to vector<16x16xf32>
    %get3A_2 = arith.constant 0 : index
    %get3A_3 = arith.constant 0 : index
    %get3A_4 = arith.constant 0 : index
    %get3A_5 = vector.load %arg2[%get3A_2, %get3A_3, %get3A_4] : memref<8x16x128xf32, #tpu.memory_space<vmem>>, vector<1x16x128xf32>
    %get3A_6 = vector.shape_cast %get3A_5 : vector<1x16x128xf32> to vector<16x128xf32>
    %dot_general3A = arith.constant dense<0.000000e+00> : vector<16x128xf32>
    %dot_general3A_7 = tpu.matmul %squeeze3A, %get3A_6, %dot_general3A {dimension_numbers = #tpu.dot_dimension_numbers<[1], [0], [0], [1], [0, 0, 1, 1], [], []>, transpose_lhs_hint = false} : vector<16x16xf32>, vector<16x128xf32>, vector<16x128xf32> -> vector<16x128xf32>
    %slice3A_8 = vector.extract_strided_slice %reshape3A {offsets = [1, 0, 0], sizes = [1, 16, 16], strides = [1, 1, 1]} : vector<8x16x16xf32> to vector<1x16x16xf32>
    %squeeze3A_9 = vector.shape_cast %slice3A_8 : vector<1x16x16xf32> to vector<16x16xf32>
    %get3A_10 = arith.constant 1 : index
    %get3A_11 = arith.constant 0 : index
    %get3A_12 = arith.constant 0 : index
    %get3A_13 = vector.load %arg2[%get3A_10, %get3A_11, %get3A_12] : memref<8x16x128xf32, #tpu.memory_space<vmem>>, vector<1x16x128xf32>
    %get3A_14 = vector.shape_cast %get3A_13 : vector<1x16x128xf32> to vector<16x128xf32>
    %dot_general3A_15 = arith.constant dense<0.000000e+00> : vector<16x128xf32>
    %dot_general3A_16 = tpu.matmul %squeeze3A_9, %get3A_14, %dot_general3A_15 {dimension_numbers = #tpu.dot_dimension_numbers<[1], [0], [0], [1], [0, 0, 1, 1], [], []>, transpose_lhs_hint = false} : vector<16x16xf32>, vector<16x128xf32>, vector<16x128xf32> -> vector<16x128xf32>
    %add3A = arith.addf %dot_general3A_7, %dot_general3A_16 : vector<16x128xf32>
    %slice3A_17 = vector.extract_strided_slice %reshape3A {offsets = [2, 0, 0], sizes = [1, 16, 16], strides = [1, 1, 1]} : vector<8x16x16xf32> to vector<1x16x16xf32>
    %squeeze3A_18 = vector.shape_cast %slice3A_17 : vector<1x16x16xf32> to vector<16x16xf32>
    %get3A_19 = arith.constant 2 : index
    %get3A_20 = arith.constant 0 : index
    %get3A_21 = arith.constant 0 : index
    %get3A_22 = vector.load %arg2[%get3A_19, %get3A_20, %get3A_21] : memref<8x16x128xf32, #tpu.memory_space<vmem>>, vector<1x16x128xf32>
    %get3A_23 = vector.shape_cast %get3A_22 : vector<1x16x128xf32> to vector<16x128xf32>
    %dot_general3A_24 = arith.constant dense<0.000000e+00> : vector<16x128xf32>
    %dot_general3A_25 = tpu.matmul %squeeze3A_18, %get3A_23, %dot_general3A_24 {dimension_numbers = #tpu.dot_dimension_numbers<[1], [0], [0], [1], [0, 0, 1, 1], [], []>, transpose_lhs_hint = false} : vector<16x16xf32>, vector<16x128xf32>, vector<16x128xf32> -> vector<16x128xf32>
    %add3A_26 = arith.addf %add3A, %dot_general3A_25 : vector<16x128xf32>
    %slice3A_27 = vector.extract_strided_slice %reshape3A {offsets = [3, 0, 0], sizes = [1, 16, 16], strides = [1, 1, 1]} : vector<8x16x16xf32> to vector<1x16x16xf32>
    %squeeze3A_28 = vector.shape_cast %slice3A_27 : vector<1x16x16xf32> to vector<16x16xf32>
    %get3A_29 = arith.constant 3 : index
    %get3A_30 = arith.constant 0 : index
    %get3A_31 = arith.constant 0 : index
    %get3A_32 = vector.load %arg2[%get3A_29, %get3A_30, %get3A_31] : memref<8x16x128xf32, #tpu.memory_space<vmem>>, vector<1x16x128xf32>
    %get3A_33 = vector.shape_cast %get3A_32 : vector<1x16x128xf32> to vector<16x128xf32>
    %dot_general3A_34 = arith.constant dense<0.000000e+00> : vector<16x128xf32>
    %dot_general3A_35 = tpu.matmul %squeeze3A_28, %get3A_33, %dot_general3A_34 {dimension_numbers = #tpu.dot_dimension_numbers<[1], [0], [0], [1], [0, 0, 1, 1], [], []>, transpose_lhs_hint = false} : vector<16x16xf32>, vector<16x128xf32>, vector<16x128xf32> -> vector<16x128xf32>
    %add3A_36 = arith.addf %add3A_26, %dot_general3A_35 : vector<16x128xf32>
    %slice3A_37 = vector.extract_strided_slice %reshape3A {offsets = [4, 0, 0], sizes = [1, 16, 16], strides = [1, 1, 1]} : vector<8x16x16xf32> to vector<1x16x16xf32>
    %squeeze3A_38 = vector.shape_cast %slice3A_37 : vector<1x16x16xf32> to vector<16x16xf32>
    %get3A_39 = arith.constant 4 : index
    %get3A_40 = arith.constant 0 : index
    %get3A_41 = arith.constant 0 : index
    %get3A_42 = vector.load %arg2[%get3A_39, %get3A_40, %get3A_41] : memref<8x16x128xf32, #tpu.memory_space<vmem>>, vector<1x16x128xf32>
    %get3A_43 = vector.shape_cast %get3A_42 : vector<1x16x128xf32> to vector<16x128xf32>
    %dot_general3A_44 = arith.constant dense<0.000000e+00> : vector<16x128xf32>
    %dot_general3A_45 = tpu.matmul %squeeze3A_38, %get3A_43, %dot_general3A_44 {dimension_numbers = #tpu.dot_dimension_numbers<[1], [0], [0], [1], [0, 0, 1, 1], [], []>, transpose_lhs_hint = false} : vector<16x16xf32>, vector<16x128xf32>, vector<16x128xf32> -> vector<16x128xf32>
    %add3A_46 = arith.addf %add3A_36, %dot_general3A_45 : vector<16x128xf32>
    %slice3A_47 = vector.extract_strided_slice %reshape3A {offsets = [5, 0, 0], sizes = [1, 16, 16], strides = [1, 1, 1]} : vector<8x16x16xf32> to vector<1x16x16xf32>
    %squeeze3A_48 = vector.shape_cast %slice3A_47 : vector<1x16x16xf32> to vector<16x16xf32>
    %get3A_49 = arith.constant 5 : index
    %get3A_50 = arith.constant 0 : index
    %get3A_51 = arith.constant 0 : index
    %get3A_52 = vector.load %arg2[%get3A_49, %get3A_50, %get3A_51] : memref<8x16x128xf32, #tpu.memory_space<vmem>>, vector<1x16x128xf32>
    %get3A_53 = vector.shape_cast %get3A_52 : vector<1x16x128xf32> to vector<16x128xf32>
    %dot_general3A_54 = arith.constant dense<0.000000e+00> : vector<16x128xf32>
    %dot_general3A_55 = tpu.matmul %squeeze3A_48, %get3A_53, %dot_general3A_54 {dimension_numbers = #tpu.dot_dimension_numbers<[1], [0], [0], [1], [0, 0, 1, 1], [], []>, transpose_lhs_hint = false} : vector<16x16xf32>, vector<16x128xf32>, vector<16x128xf32> -> vector<16x128xf32>
    %add3A_56 = arith.addf %add3A_46, %dot_general3A_55 : vector<16x128xf32>
    %slice3A_57 = vector.extract_strided_slice %reshape3A {offsets = [6, 0, 0], sizes = [1, 16, 16], strides = [1, 1, 1]} : vector<8x16x16xf32> to vector<1x16x16xf32>
    %squeeze3A_58 = vector.shape_cast %slice3A_57 : vector<1x16x16xf32> to vector<16x16xf32>
    %get3A_59 = arith.constant 6 : index
    %get3A_60 = arith.constant 0 : index
    %get3A_61 = arith.constant 0 : index
    %get3A_62 = vector.load %arg2[%get3A_59, %get3A_60, %get3A_61] : memref<8x16x128xf32, #tpu.memory_space<vmem>>, vector<1x16x128xf32>
    %get3A_63 = vector.shape_cast %get3A_62 : vector<1x16x128xf32> to vector<16x128xf32>
    %dot_general3A_64 = arith.constant dense<0.000000e+00> : vector<16x128xf32>
    %dot_general3A_65 = tpu.matmul %squeeze3A_58, %get3A_63, %dot_general3A_64 {dimension_numbers = #tpu.dot_dimension_numbers<[1], [0], [0], [1], [0, 0, 1, 1], [], []>, transpose_lhs_hint = false} : vector<16x16xf32>, vector<16x128xf32>, vector<16x128xf32> -> vector<16x128xf32>
    %add3A_66 = arith.addf %add3A_56, %dot_general3A_65 : vector<16x128xf32>
    %slice3A_67 = vector.extract_strided_slice %reshape3A {offsets = [7, 0, 0], sizes = [1, 16, 16], strides = [1, 1, 1]} : vector<8x16x16xf32> to vector<1x16x16xf32>
    %squeeze3A_68 = vector.shape_cast %slice3A_67 : vector<1x16x16xf32> to vector<16x16xf32>
    %get3A_69 = arith.constant 7 : index
    %get3A_70 = arith.constant 0 : index
    %get3A_71 = arith.constant 0 : index
    %get3A_72 = vector.load %arg2[%get3A_69, %get3A_70, %get3A_71] : memref<8x16x128xf32, #tpu.memory_space<vmem>>, vector<1x16x128xf32>
    %get3A_73 = vector.shape_cast %get3A_72 : vector<1x16x128xf32> to vector<16x128xf32>
    %dot_general3A_74 = arith.constant dense<0.000000e+00> : vector<16x128xf32>
    %dot_general3A_75 = tpu.matmul %squeeze3A_68, %get3A_73, %dot_general3A_74 {dimension_numbers = #tpu.dot_dimension_numbers<[1], [0], [0], [1], [0, 0, 1, 1], [], []>, transpose_lhs_hint = false} : vector<16x16xf32>, vector<16x128xf32>, vector<16x128xf32> -> vector<16x128xf32>
    %add3A_76 = arith.addf %add3A_66, %dot_general3A_75 : vector<16x128xf32>
    %reshape3A_77 = vector.shape_cast %add3A_76 : vector<16x128xf32> to vector<2x8x128xf32>
    %swap3A = arith.constant 0 : index
    %swap3A_78 = arith.constant 0 : index
    %swap3A_79 = arith.constant 0 : index
    %swap3A_80 = vector.load %arg3[%swap3A, %swap3A_78, %swap3A_79] : memref<2x128x128xf32, #tpu.memory_space<vmem>>, vector<2x8x128xf32>
    tpu.vector_store %arg3[%swap3A, %swap3A_78, %swap3A_79], %reshape3A_77 {strides = array<i32>} : memref<2x128x128xf32, #tpu.memory_space<vmem>>, vector<2x8x128xf32>,
    %get3A_81 = arith.constant 16 : index
    %get3A_82 = arith.constant 0 : index
    %get3A_83 = vector.load %arg1[%get3A_81, %get3A_82] : memref<256x128xf32, #tpu.memory_space<vmem>>, vector<16x128xf32>
    %transpose3A_84 = tpu.transpose %get3A_83, [1, 0] : vector<16x128xf32> -> vector<128x16xf32>
    %reshape3A_85 = vector.shape_cast %transpose3A_84 : vector<128x16xf32> to vector<8x16x16xf32>
    %slice3A_86 = vector.extract_strided_slice %reshape3A_85 {offsets = [0, 0, 0], sizes = [1, 16, 16], strides = [1, 1, 1]} : vector<8x16x16xf32> to vector<1x16x16xf32>
    %squeeze3A_87 = vector.shape_cast %slice3A_86 : vector<1x16x16xf32> to vector<16x16xf32>
    %get3A_88 = arith.constant 0 : index
    %get3A_89 = arith.constant 0 : index
    %get3A_90 = arith.constant 0 : index
    %get3A_91 = vector.load %arg2[%get3A_88, %get3A_89, %get3A_90] : memref<8x16x128xf32, #tpu.memory_space<vmem>>, vector<1x16x128xf32>
    %get3A_92 = vector.shape_cast %get3A_91 : vector<1x16x128xf32> to vector<16x128xf32>
    %dot_general3A_93 = arith.constant dense<0.000000e+00> : vector<16x128xf32>
    %dot_general3A_94 = tpu.matmul %squeeze3A_87, %get3A_92, %dot_general3A_93 {dimension_numbers = #tpu.dot_dimension_numbers<[1], [0], [0], [1], [0, 0, 1, 1], [], []>, transpose_lhs_hint = false} : vector<16x16xf32>, vector<16x128xf32>, vector<16x128xf32> -> vector<16x128xf32>
    %slice3A_95 = vector.extract_strided_slice %reshape3A_85 {offsets = [1, 0, 0], sizes = [1, 16, 16], strides = [1, 1, 1]} : vector<8x16x16xf32> to vector<1x16x16xf32>
    %squeeze3A_96 = vector.shape_cast %slice3A_95 : vector<1x16x16xf32> to vector<16x16xf32>
    %get3A_97 = arith.constant 1 : index
    %get3A_98 = arith.constant 0 : index
    %get3A_99 = arith.constant 0 : index
    %get3A_100 = vector.load %arg2[%get3A_97, %get3A_98, %get3A_99] : memref<8x16x128xf32, #tpu.memory_space<vmem>>, vector<1x16x128xf32>
    %get3A_101 = vector.shape_cast %get3A_100 : vector<1x16x128xf32> to vector<16x128xf32>
    %dot_general3A_102 = arith.constant dense<0.000000e+00> : vector<16x128xf32>
    %dot_general3A_103 = tpu.matmul %squeeze3A_96, %get3A_101, %dot_general3A_102 {dimension_numbers = #tpu.dot_dimension_numbers<[1], [0], [0], [1], [0, 0, 1, 1], [], []>, transpose_lhs_hint = false} : vector<16x16xf32>, vector<16x128xf32>, vector<16x128xf32> -> vector<16x128xf32>
    %add3A_104 = arith.addf %dot_general3A_94, %dot_general3A_103 : vector<16x128xf32>
    %slice3A_105 = vector.extract_strided_slice %reshape3A_85 {offsets = [2, 0, 0], sizes = [1, 16, 16], strides = [1, 1, 1]} : vector<8x16x16xf32> to vector<1x16x16xf32>
    %squeeze3A_106 = vector.shape_cast %slice3A_105 : vector<1x16x16xf32> to vector<16x16xf32>
    %get3A_107 = arith.constant 2 : index
    %get3A_108 = arith.constant 0 : index
    %get3A_109 = arith.constant 0 : index
    %get3A_110 = vector.load %arg2[%get3A_107, %get3A_108, %get3A_109] : memref<8x16x128xf32, #tpu.memory_space<vmem>>, vector<1x16x128xf32>
    %get3A_111 = vector.shape_cast %get3A_110 : vector<1x16x128xf32> to vector<16x128xf32>
    %dot_general3A_112 = arith.constant dense<0.000000e+00> : vector<16x128xf32>
    %dot_general3A_113 = tpu.matmul %squeeze3A_106, %get3A_111, %dot_general3A_112 {dimension_numbers = #tpu.dot_dimension_numbers<[1], [0], [0], [1], [0, 0, 1, 1], [], []>, transpose_lhs_hint = false} : vector<16x16xf32>, vector<16x128xf32>, vector<16x128xf32> -> vector<16x128xf32>
    %add3A_114 = arith.addf %add3A_104, %dot_general3A_113 : vector<16x128xf32>
    %slice3A_115 = vector.extract_strided_slice %reshape3A_85 {offsets = [3, 0, 0], sizes = [1, 16, 16], strides = [1, 1, 1]} : vector<8x16x16xf32> to vector<1x16x16xf32>
    %squeeze3A_116 = vector.shape_cast %slice3A_115 : vector<1x16x16xf32> to vector<16x16xf32>
    %get3A_117 = arith.constant 3 : index
    %get3A_118 = arith.constant 0 : index
    %get3A_119 = arith.constant 0 : index
    %get3A_120 = vector.load %arg2[%get3A_117, %get3A_118, %get3A_119] : memref<8x16x128xf32, #tpu.memory_space<vmem>>, vector<1x16x128xf32>
    %get3A_121 = vector.shape_cast %get3A_120 : vector<1x16x128xf32> to vector<16x128xf32>
    %dot_general3A_122 = arith.constant dense<0.000000e+00> : vector<16x128xf32>
    %dot_general3A_123 = tpu.matmul %squeeze3A_116, %get3A_121, %dot_general3A_122 {dimension_numbers = #tpu.dot_dimension_numbers<[1], [0], [0], [1], [0, 0, 1, 1], [], []>, transpose_lhs_hint = false} : vector<16x16xf32>, vector<16x128xf32>, vector<16x128xf32> -> vector<16x128xf32>
    %add3A_124 = arith.addf %add3A_114, %dot_general3A_123 : vector<16x128xf32>
    %slice3A_125 = vector.extract_strided_slice %reshape3A_85 {offsets = [4, 0, 0], sizes = [1, 16, 16], strides = [1, 1, 1]} : vector<8x16x16xf32> to vector<1x16x16xf32>
    %squeeze3A_126 = vector.shape_cast %slice3A_125 : vector<1x16x16xf32> to vector<16x16xf32>
    %get3A_127 = arith.constant 4 : index
    %get3A_128 = arith.constant 0 : index
    %get3A_129 = arith.constant 0 : index
    %get3A_130 = vector.load %arg2[%get3A_127, %get3A_128, %get3A_129] : memref<8x16x128xf32, #tpu.memory_space<vmem>>, vector<1x16x128xf32>
    %get3A_131 = vector.shape_cast %get3A_130 : vector<1x16x128xf32> to vector<16x128xf32>
    %dot_general3A_132 = arith.constant dense<0.000000e+00> : vector<16x128xf32>
    %dot_general3A_133 = tpu.matmul %squeeze3A_126, %get3A_131, %dot_general3A_132 {dimension_numbers = #tpu.dot_dimension_numbers<[1], [0], [0], [1], [0, 0, 1, 1], [], []>, transpose_lhs_hint = false} : vector<16x16xf32>, vector<16x128xf32>, vector<16x128xf32> -> vector<16x128xf32>
    %add3A_134 = arith.addf %add3A_124, %dot_general3A_133 : vector<16x128xf32>
    %slice3A_135 = vector.extract_strided_slice %reshape3A_85 {offsets = [5, 0, 0], sizes = [1, 16, 16], strides = [1, 1, 1]} : vector<8x16x16xf32> to vector<1x16x16xf32>
    %squeeze3A_136 = vector.shape_cast %slice3A_135 : vector<1x16x16xf32> to vector<16x16xf32>
    %get3A_137 = arith.constant 5 : index
    %get3A_138 = arith.constant 0 : index
    %get3A_139 = arith.constant 0 : index
    %get3A_140 = vector.load %arg2[%get3A_137, %get3A_138, %get3A_139] : memref<8x16x128xf32, #tpu.memory_space<vmem>>, vector<1x16x128xf32>
    %get3A_141 = vector.shape_cast %get3A_140 : vector<1x16x128xf32> to vector<16x128xf32>
    %dot_general3A_142 = arith.constant dense<0.000000e+00> : vector<16x128xf32>
    %dot_general3A_143 = tpu.matmul %squeeze3A_136, %get3A_141, %dot_general3A_142 {dimension_numbers = #tpu.dot_dimension_numbers<[1], [0], [0], [1], [0, 0, 1, 1], [], []>, transpose_lhs_hint = false} : vector<16x16xf32>, vector<16x128xf32>, vector<16x128xf32> -> vector<16x128xf32>
    %add3A_144 = arith.addf %add3A_134, %dot_general3A_143 : vector<16x128xf32>
    %slice3A_145 = vector.extract_strided_slice %reshape3A_85 {offsets = [6, 0, 0], sizes = [1, 16, 16], strides = [1, 1, 1]} : vector<8x16x16xf32> to vector<1x16x16xf32>
    %squeeze3A_146 = vector.shape_cast %slice3A_145 : vector<1x16x16xf32> to vector<16x16xf32>
    %get3A_147 = arith.constant 6 : index
    %get3A_148 = arith.constant 0 : index
    %get3A_149 = arith.constant 0 : index
    %get3A_150 = vector.load %arg2[%get3A_147, %get3A_148, %get3A_149] : memref<8x16x128xf32, #tpu.memory_space<vmem>>, vector<1x16x128xf32>
    %get3A_151 = vector.shape_cast %get3A_150 : vector<1x16x128xf32> to vector<16x128xf32>
    %dot_general3A_152 = arith.constant dense<0.000000e+00> : vector<16x128xf32>
    %dot_general3A_153 = tpu.matmul %squeeze3A_146, %get3A_151, %dot_general3A_152 {dimension_numbers = #tpu.dot_dimension_numbers<[1], [0], [0], [1], [0, 0, 1, 1], [], []>, transpose_lhs_hint = false} : vector<16x16xf32>, vector<16x128xf32>, vector<16x128xf32> -> vector<16x128xf32>
    %add3A_154 = arith.addf %add3A_144, %dot_general3A_153 : vector<16x128xf32>
    %slice3A_155 = vector.extract_strided_slice %reshape3A_85 {offsets = [7, 0, 0], sizes = [1, 16, 16], strides = [1, 1, 1]} : vector<8x16x16xf32> to vector<1x16x16xf32>
    %squeeze3A_156 = vector.shape_cast %slice3A_155 : vector<1x16x16xf32> to vector<16x16xf32>
    %get3A_157 = arith.constant 7 : index
    %get3A_158 = arith.constant 0 : index
    %get3A_159 = arith.constant 0 : index
    %get3A_160 = vector.load %arg2[%get3A_157, %get3A_158, %get3A_159] : memref<8x16x128xf32, #tpu.memory_space<vmem>>, vector<1x16x128xf32>
    %get3A_161 = vector.shape_cast %get3A_160 : vector<1x16x128xf32> to vector<16x128xf32>
    %dot_general3A_162 = arith.constant dense<0.000000e+00> : vector<16x128xf32>
    %dot_general3A_163 = tpu.matmul %squeeze3A_156, %get3A_161, %dot_general3A_162 {dimension_numbers = #tpu.dot_dimension_numbers<[1], [0], [0], [1], [0, 0, 1, 1], [], []>, transpose_lhs_hint = false} : vector<16x16xf32>, vector<16x128xf32>, vector<16x128xf32> -> vector<16x128xf32>
    %add3A_164 = arith.addf %add3A_154, %dot_general3A_163 : vector<16x128xf32>
    %reshape3A_165 = vector.shape_cast %add3A_164 : vector<16x128xf32> to vector<2x8x128xf32>
    %swap3A_166 = arith.constant 0 : index
    %swap3A_167 = arith.constant 8 : index
    %swap3A_168 = arith.constant 0 : index
    %swap3A_169 = vector.load %arg3[%swap3A_166, %swap3A_167, %swap3A_168] : memref<2x128x128xf32, #tpu.memory_space<vmem>>, vector<2x8x128xf32>
    tpu.vector_store %arg3[%swap3A_166, %swap3A_167, %swap3A_168], %reshape3A_165 {strides = array<i32>} : memref<2x128x128xf32, #tpu.memory_space<vmem>>, vector<2x8x128xf32>,
    %get3A_170 = arith.constant 32 : index
    %get3A_171 = arith.constant 0 : index
    %get3A_172 = vector.load %arg1[%get3A_170, %get3A_171] : memref<256x128xf32, #tpu.memory_space<vmem>>, vector<16x128xf32>
    %transpose3A_173 = tpu.transpose %get3A_172, [1, 0] : vector<16x128xf32> -> vector<128x16xf32>
    %reshape3A_174 = vector.shape_cast %transpose3A_173 : vector<128x16xf32> to vector<8x16x16xf32>
    %slice3A_175 = vector.extract_strided_slice %reshape3A_174 {offsets = [0, 0, 0], sizes = [1, 16, 16], strides = [1, 1, 1]} : vector<8x16x16xf32> to vector<1x16x16xf32>
    %squeeze3A_176 = vector.shape_cast %slice3A_175 : vector<1x16x16xf32> to vector<16x16xf32>
    %get3A_177 = arith.constant 0 : index
    %get3A_178 = arith.constant 0 : index
    %get3A_179 = arith.constant 0 : index
    %get3A_180 = vector.load %arg2[%get3A_177, %get3A_178, %get3A_179] : memref<8x16x128xf32, #tpu.memory_space<vmem>>, vector<1x16x128xf32>
    %get3A_181 = vector.shape_cast %get3A_180 : vector<1x16x128xf32> to vector<16x128xf32>
    %dot_general3A_182 = arith.constant dense<0.000000e+00> : vector<16x128xf32>
    %dot_general3A_183 = tpu.matmul %squeeze3A_176, %get3A_181, %dot_general3A_182 {dimension_numbers = #tpu.dot_dimension_numbers<[1], [0], [0], [1], [0, 0, 1, 1], [], []>, transpose_lhs_hint = false} : vector<16x16xf32>, vector<16x128xf32>, vector<16x128xf32> -> vector<16x128xf32>
    %slice3A_184 = vector.extract_strided_slice %reshape3A_174 {offsets = [1, 0, 0], sizes = [1, 16, 16], strides = [1, 1, 1]} : vector<8x16x16xf32> to vector<1x16x16xf32>
    %squeeze3A_185 = vector.shape_cast %slice3A_184 : vector<1x16x16xf32> to vector<16x16xf32>
    %get3A_186 = arith.constant 1 : index
    %get3A_187 = arith.constant 0 : index
    %get3A_188 = arith.constant 0 : index
    %get3A_189 = vector.load %arg2[%get3A_186, %get3A_187, %get3A_188] : memref<8x16x128xf32, #tpu.memory_space<vmem>>, vector<1x16x128xf32>
    %get3A_190 = vector.shape_cast %get3A_189 : vector<1x16x128xf32> to vector<16x128xf32>
    %dot_general3A_191 = arith.constant dense<0.000000e+00> : vector<16x128xf32>
    %dot_general3A_192 = tpu.matmul %squeeze3A_185, %get3A_190, %dot_general3A_191 {dimension_numbers = #tpu.dot_dimension_numbers<[1], [0], [0], [1], [0, 0, 1, 1], [], []>, transpose_lhs_hint = false} : vector<16x16xf32>, vector<16x128xf32>, vector<16x128xf32> -> vector<16x128xf32>
    %add3A_193 = arith.addf %dot_general3A_183, %dot_general3A_192 : vector<16x128xf32>
    %slice3A_194 = vector.extract_strided_slice %reshape3A_174 {offsets = [2, 0, 0], sizes = [1, 16, 16], strides = [1, 1, 1]} : vector<8x16x16xf32> to vector<1x16x16xf32>
    %squeeze3A_195 = vector.shape_cast %slice3A_194 : vector<1x16x16xf32> to vector<16x16xf32>
    %get3A_196 = arith.constant 2 : index
    %get3A_197 = arith.constant 0 : index
    %get3A_198 = arith.constant 0 : index
    %get3A_199 = vector.load %arg2[%get3A_196, %get3A_197, %get3A_198] : memref<8x16x128xf32, #tpu.memory_space<vmem>>, vector<1x16x128xf32>
    %get3A_200 = vector.shape_cast %get3A_199 : vector<1x16x128xf32> to vector<16x128xf32>
    %dot_general3A_201 = arith.constant dense<0.000000e+00> : vector<16x128xf32>
    %dot_general3A_202 = tpu.matmul %squeeze3A_195, %get3A_200, %dot_general3A_201 {dimension_numbers = #tpu.dot_dimension_numbers<[1], [0], [0], [1], [0, 0, 1, 1], [], []>, transpose_lhs_hint = false} : vector<16x16xf32>, vector<16x128xf32>, vector<16x128xf32> -> vector<16x128xf32>
    %add3A_203 = arith.addf %add3A_193, %dot_general3A_202 : vector<16x128xf32>
    %slice3A_204 = vector.extract_strided_slice %reshape3A_174 {offsets = [3, 0, 0], sizes = [1, 16, 16], strides = [1, 1, 1]} : vector<8x16x16xf32> to vector<1x16x16xf32>
    %squeeze3A_205 = vector.shape_cast %slice3A_204 : vector<1x16x16xf32> to vector<16x16xf32>
    %get3A_206 = arith.constant 3 : index
    %get3A_207 = arith.constant 0 : index
    %get3A_208 = arith.constant 0 : index
    %get3A_209 = vector.load %arg2[%get3A_206, %get3A_207, %get3A_208] : memref<8x16x128xf32, #tpu.memory_space<vmem>>, vector<1x16x128xf32>
    %get3A_210 = vector.shape_cast %get3A_209 : vector<1x16x128xf32> to vector<16x128xf32>
    %dot_general3A_211 = arith.constant dense<0.000000e+00> : vector<16x128xf32>
    %dot_general3A_212 = tpu.matmul %squeeze3A_205, %get3A_210, %dot_general3A_211 {dimension_numbers = #tpu.dot_dimension_numbers<[1], [0], [0], [1], [0, 0, 1, 1], [], []>, transpose_lhs_hint = false} : vector<16x16xf32>, vector<16x128xf32>, vector<16x128xf32> -> vector<16x128xf32>
    %add3A_213 = arith.addf %add3A_203, %dot_general3A_212 : vector<16x128xf32>
    %slice3A_214 = vector.extract_strided_slice %reshape3A_174 {offsets = [4, 0, 0], sizes = [1, 16, 16], strides = [1, 1, 1]} : vector<8x16x16xf32> to vector<1x16x16xf32>
    %squeeze3A_215 = vector.shape_cast %slice3A_214 : vector<1x16x16xf32> to vector<16x16xf32>
    %get3A_216 = arith.constant 4 : index
    %get3A_217 = arith.constant 0 : index
    %get3A_218 = arith.constant 0 : index
    %get3A_219 = vector.load %arg2[%get3A_216, %get3A_217, %get3A_218] : memref<8x16x128xf32, #tpu.memory_space<vmem>>, vector<1x16x128xf32>
    %get3A_220 = vector.shape_cast %get3A_219 : vector<1x16x128xf32> to vector<16x128xf32>
    %dot_general3A_221 = arith.constant dense<0.000000e+00> : vector<16x128xf32>
    %dot_general3A_222 = tpu.matmul %squeeze3A_215, %get3A_220, %dot_general3A_221 {dimension_numbers = #tpu.dot_dimension_numbers<[1], [0], [0], [1], [0, 0, 1, 1], [], []>, transpose_lhs_hint = false} : vector<16x16xf32>, vector<16x128xf32>, vector<16x128xf32> -> vector<16x128xf32>
    %add3A_223 = arith.addf %add3A_213, %dot_general3A_222 : vector<16x128xf32>
    %slice3A_224 = vector.extract_strided_slice %reshape3A_174 {offsets = [5, 0, 0], sizes = [1, 16, 16], strides = [1, 1, 1]} : vector<8x16x16xf32> to vector<1x16x16xf32>
    %squeeze3A_225 = vector.shape_cast %slice3A_224 : vector<1x16x16xf32> to vector<16x16xf32>
    %get3A_226 = arith.constant 5 : index
    %get3A_227 = arith.constant 0 : index
    %get3A_228 = arith.constant 0 : index
    %get3A_229 = vector.load %arg2[%get3A_226, %get3A_227, %get3A_228] : memref<8x16x128xf32, #tpu.memory_space<vmem>>, vector<1x16x128xf32>
    %get3A_230 = vector.shape_cast %get3A_229 : vector<1x16x128xf32> to vector<16x128xf32>
    %dot_general3A_231 = arith.constant dense<0.000000e+00> : vector<16x128xf32>
    %dot_general3A_232 = tpu.matmul %squeeze3A_225, %get3A_230, %dot_general3A_231 {dimension_numbers = #tpu.dot_dimension_numbers<[1], [0], [0], [1], [0, 0, 1, 1], [], []>, transpose_lhs_hint = false} : vector<16x16xf32>, vector<16x128xf32>, vector<16x128xf32> -> vector<16x128xf32>
    %add3A_233 = arith.addf %add3A_223, %dot_general3A_232 : vector<16x128xf32>
    %slice3A_234 = vector.extract_strided_slice %reshape3A_174 {offsets = [6, 0, 0], sizes = [1, 16, 16], strides = [1, 1, 1]} : vector<8x16x16xf32> to vector<1x16x16xf32>
    %squeeze3A_235 = vector.shape_cast %slice3A_234 : vector<1x16x16xf32> to vector<16x16xf32>
    %get3A_236 = arith.constant 6 : index
    %get3A_237 = arith.constant 0 : index
    %get3A_238 = arith.constant 0 : index
    %get3A_239 = vector.load %arg2[%get3A_236, %get3A_237, %get3A_238] : memref<8x16x128xf32, #tpu.memory_space<vmem>>, vector<1x16x128xf32>
    %get3A_240 = vector.shape_cast %get3A_239 : vector<1x16x128xf32> to vector<16x128xf32>
    %dot_general3A_241 = arith.constant dense<0.000000e+00> : vector<16x128xf32>
    %dot_general3A_242 = tpu.matmul %squeeze3A_235, %get3A_240, %dot_general3A_241 {dimension_numbers = #tpu.dot_dimension_numbers<[1], [0], [0], [1], [0, 0, 1, 1], [], []>, transpose_lhs_hint = false} : vector<16x16xf32>, vector<16x128xf32>, vector<16x128xf32> -> vector<16x128xf32>
    %add3A_243 = arith.addf %add3A_233, %dot_general3A_242 : vector<16x128xf32>
    %slice3A_244 = vector.extract_strided_slice %reshape3A_174 {offsets = [7, 0, 0], sizes = [1, 16, 16], strides = [1, 1, 1]} : vector<8x16x16xf32> to vector<1x16x16xf32>
    %squeeze3A_245 = vector.shape_cast %slice3A_244 : vector<1x16x16xf32> to vector<16x16xf32>
    %get3A_246 = arith.constant 7 : index
    %get3A_247 = arith.constant 0 : index
    %get3A_248 = arith.constant 0 : index
    %get3A_249 = vector.load %arg2[%get3A_246, %get3A_247, %get3A_248] : memref<8x16x128xf32, #tpu.memory_space<vmem>>, vector<1x16x128xf32>
    %get3A_250 = vector.shape_cast %get3A_249 : vector<1x16x128xf32> to vector<16x128xf32>
    %dot_general3A_251 = arith.constant dense<0.000000e+00> : vector<16x128xf32>
    %dot_general3A_252 = tpu.matmul %squeeze3A_245, %get3A_250, %dot_general3A_251 {dimension_numbers = #tpu.dot_dimension_numbers<[1], [0], [0], [1], [0, 0, 1, 1], [], []>, transpose_lhs_hint = false} : vector<16x16xf32>, vector<16x128xf32>, vector<16x128xf32> -> vector<16x128xf32>
    %add3A_253 = arith.addf %add3A_243, %dot_general3A_252 : vector<16x128xf32>
    %reshape3A_254 = vector.shape_cast %add3A_253 : vector<16x128xf32> to vector<2x8x128xf32>
    %swap3A_255 = arith.constant 0 : index
    %swap3A_256 = arith.constant 16 : index
    %swap3A_257 = arith.constant 0 : index
    %swap3A_258 = vector.load %arg3[%swap3A_255, %swap3A_256, %swap3A_257] : memref<2x128x128xf32, #tpu.memory_space<vmem>>, vector<2x8x128xf32>
    tpu.vector_store %arg3[%swap3A_255, %swap3A_256, %swap3A_257], %reshape3A_254 {strides = array<i32>} : memref<2x128x128xf32, #tpu.memory_space<vmem>>, vector<2x8x128xf32>,
    %get3A_259 = arith.constant 48 : index
    %get3A_260 = arith.constant 0 : index
    %get3A_261 = vector.load %arg1[%get3A_259, %get3A_260] : memref<256x128xf32, #tpu.memory_space<vmem>>, vector<16x128xf32>
    %transpose3A_262 = tpu.transpose %get3A_261, [1, 0] : vector<16x128xf32> -> vector<128x16xf32>
    %reshape3A_263 = vector.shape_cast %transpose3A_262 : vector<128x16xf32> to vector<8x16x16xf32>
    %slice3A_264 = vector.extract_strided_slice %reshape3A_263 {offsets = [0, 0, 0], sizes = [1, 16, 16], strides = [1, 1, 1]} : vector<8x16x16xf32> to vector<1x16x16xf32>
    %squeeze3A_265 = vector.shape_cast %slice3A_264 : vector<1x16x16xf32> to vector<16x16xf32>
    %get3A_266 = arith.constant 0 : index
    %get3A_267 = arith.constant 0 : index
    %get3A_268 = arith.constant 0 : index
    %get3A_269 = vector.load %arg2[%get3A_266, %get3A_267, %get3A_268] : memref<8x16x128xf32, #tpu.memory_space<vmem>>, vector<1x16x128xf32>
    %get3A_270 = vector.shape_cast %get3A_269 : vector<1x16x128xf32> to vector<16x128xf32>
    %dot_general3A_271 = arith.constant dense<0.000000e+00> : vector<16x128xf32>
    %dot_general3A_272 = tpu.matmul %squeeze3A_265, %get3A_270, %dot_general3A_271 {dimension_numbers = #tpu.dot_dimension_numbers<[1], [0], [0], [1], [0, 0, 1, 1], [], []>, transpose_lhs_hint = false} : vector<16x16xf32>, vector<16x128xf32>, vector<16x128xf32> -> vector<16x128xf32>
    %slice3A_273 = vector.extract_strided_slice %reshape3A_263 {offsets = [1, 0, 0], sizes = [1, 16, 16], strides = [1, 1, 1]} : vector<8x16x16xf32> to vector<1x16x16xf32>
    %squeeze3A_274 = vector.shape_cast %slice3A_273 : vector<1x16x16xf32> to vector<16x16xf32>
    %get3A_275 = arith.constant 1 : index
    %get3A_276 = arith.constant 0 : index
    %get3A_277 = arith.constant 0 : index
    %get3A_278 = vector.load %arg2[%get3A_275, %get3A_276, %get3A_277] : memref<8x16x128xf32, #tpu.memory_space<vmem>>, vector<1x16x128xf32>
    %get3A_279 = vector.shape_cast %get3A_278 : vector<1x16x128xf32> to vector<16x128xf32>
    %dot_general3A_280 = arith.constant dense<0.000000e+00> : vector<16x128xf32>
    %dot_general3A_281 = tpu.matmul %squeeze3A_274, %get3A_279, %dot_general3A_280 {dimension_numbers = #tpu.dot_dimension_numbers<[1], [0], [0], [1], [0, 0, 1, 1], [], []>, transpose_lhs_hint = false} : vector<16x16xf32>, vector<16x128xf32>, vector<16x128xf32> -> vector<16x128xf32>
    %add3A_282 = arith.addf %dot_general3A_272, %dot_general3A_281 : vector<16x128xf32>
    %slice3A_283 = vector.extract_strided_slice %reshape3A_263 {offsets = [2, 0, 0], sizes = [1, 16, 16], strides = [1, 1, 1]} : vector<8x16x16xf32> to vector<1x16x16xf32>
    %squeeze3A_284 = vector.shape_cast %slice3A_283 : vector<1x16x16xf32> to vector<16x16xf32>
    %get3A_285 = arith.constant 2 : index
    %get3A_286 = arith.constant 0 : index
    %get3A_287 = arith.constant 0 : index
    %get3A_288 = vector.load %arg2[%get3A_285, %get3A_286, %get3A_287] : memref<8x16x128xf32, #tpu.memory_space<vmem>>, vector<1x16x128xf32>
    %get3A_289 = vector.shape_cast %get3A_288 : vector<1x16x128xf32> to vector<16x128xf32>
    %dot_general3A_290 = arith.constant dense<0.000000e+00> : vector<16x128xf32>
    %dot_general3A_291 = tpu.matmul %squeeze3A_284, %get3A_289, %dot_general3A_290 {dimension_numbers = #tpu.dot_dimension_numbers<[1], [0], [0], [1], [0, 0, 1, 1], [], []>, transpose_lhs_hint = false} : vector<16x16xf32>, vector<16x128xf32>, vector<16x128xf32> -> vector<16x128xf32>
    %add3A_292 = arith.addf %add3A_282, %dot_general3A_291 : vector<16x128xf32>
    %slice3A_293 = vector.extract_strided_slice %reshape3A_263 {offsets = [3, 0, 0], sizes = [1, 16, 16], strides = [1, 1, 1]} : vector<8x16x16xf32> to vector<1x16x16xf32>
    %squeeze3A_294 = vector.shape_cast %slice3A_293 : vector<1x16x16xf32> to vector<16x16xf32>
    %get3A_295 = arith.constant 3 : index
    %get3A_296 = arith.constant 0 : index
    %get3A_297 = arith.constant 0 : index
    %get3A_298 = vector.load %arg2[%get3A_295, %get3A_296, %get3A_297] : memref<8x16x128xf32, #tpu.memory_space<vmem>>, vector<1x16x128xf32>
    %get3A_299 = vector.shape_cast %get3A_298 : vector<1x16x128xf32> to vector<16x128xf32>
    %dot_general3A_300 = arith.constant dense<0.000000e+00> : vector<16x128xf32>
    %dot_general3A_301 = tpu.matmul %squeeze3A_294, %get3A_299, %dot_general3A_300 {dimension_numbers = #tpu.dot_dimension_numbers<[1], [0], [0], [1], [0, 0, 1, 1], [], []>, transpose_lhs_hint = false} : vector<16x16xf32>, vector<16x128xf32>, vector<16x128xf32> -> vector<16x128xf32>
    %add3A_302 = arith.addf %add3A_292, %dot_general3A_301 : vector<16x128xf32>
    %slice3A_303 = vector.extract_strided_slice %reshape3A_263 {offsets = [4, 0, 0], sizes = [1, 16, 16], strides = [1, 1, 1]} : vector<8x16x16xf32> to vector<1x16x16xf32>
    %squeeze3A_304 = vector.shape_cast %slice3A_303 : vector<1x16x16xf32> to vector<16x16xf32>
    %get3A_305 = arith.constant 4 : index
    %get3A_306 = arith.constant 0 : index
    %get3A_307 = arith.constant 0 : index
    %get3A_308 = vector.load %arg2[%get3A_305, %get3A_306, %get3A_307] : memref<8x16x128xf32, #tpu.memory_space<vmem>>, vector<1x16x128xf32>
    %get3A_309 = vector.shape_cast %get3A_308 : vector<1x16x128xf32> to vector<16x128xf32>
    %dot_general3A_310 = arith.constant dense<0.000000e+00> : vector<16x128xf32>
    %dot_general3A_311 = tpu.matmul %squeeze3A_304, %get3A_309, %dot_general3A_310 {dimension_numbers = #tpu.dot_dimension_numbers<[1], [0], [0], [1], [0, 0, 1, 1], [], []>, transpose_lhs_hint = false} : vector<16x16xf32>, vector<16x128xf32>, vector<16x128xf32> -> vector<16x128xf32>
    %add3A_312 = arith.addf %add3A_302, %dot_general3A_311 : vector<16x128xf32>
    %slice3A_313 = vector.extract_strided_slice %reshape3A_263 {offsets = [5, 0, 0], sizes = [1, 16, 16], strides = [1, 1, 1]} : vector<8x16x16xf32> to vector<1x16x16xf32>
    %squeeze3A_314 = vector.shape_cast %slice3A_313 : vector<1x16x16xf32> to vector<16x16xf32>
    %get3A_315 = arith.constant 5 : index
    %get3A_316 = arith.constant 0 : index
    %get3A_317 = arith.constant 0 : index
    %get3A_318 = vector.load %arg2[%get3A_315, %get3A_316, %get3A_317] : memref<8x16x128xf32, #tpu.memory_space<vmem>>, vector<1x16x128xf32>
    %get3A_319 = vector.shape_cast %get3A_318 : vector<1x16x128xf32> to vector<16x128xf32>
    %dot_general3A_320 = arith.constant dense<0.000000e+00> : vector<16x128xf32>
    %dot_general3A_321 = tpu.matmul %squeeze3A_314, %get3A_319, %dot_general3A_320 {dimension_numbers = #tpu.dot_dimension_numbers<[1], [0], [0], [1], [0, 0, 1, 1], [], []>, transpose_lhs_hint = false} : vector<16x16xf32>, vector<16x128xf32>, vector<16x128xf32> -> vector<16x128xf32>
    %add3A_322 = arith.addf %add3A_312, %dot_general3A_321 : vector<16x128xf32>
    %slice3A_323 = vector.extract_strided_slice %reshape3A_263 {offsets = [6, 0, 0], sizes = [1, 16, 16], strides = [1, 1, 1]} : vector<8x16x16xf32> to vector<1x16x16xf32>
    %squeeze3A_324 = vector.shape_cast %slice3A_323 : vector<1x16x16xf32> to vector<16x16xf32>
    %get3A_325 = arith.constant 6 : index
    %get3A_326 = arith.constant 0 : index
    %get3A_327 = arith.constant 0 : index
    %get3A_328 = vector.load %arg2[%get3A_325, %get3A_326, %get3A_327] : memref<8x16x128xf32, #tpu.memory_space<vmem>>, vector<1x16x128xf32>
    %get3A_329 = vector.shape_cast %get3A_328 : vector<1x16x128xf32> to vector<16x128xf32>
    %dot_general3A_330 = arith.constant dense<0.000000e+00> : vector<16x128xf32>
    %dot_general3A_331 = tpu.matmul %squeeze3A_324, %get3A_329, %dot_general3A_330 {dimension_numbers = #tpu.dot_dimension_numbers<[1], [0], [0], [1], [0, 0, 1, 1], [], []>, transpose_lhs_hint = false} : vector<16x16xf32>, vector<16x128xf32>, vector<16x128xf32> -> vector<16x128xf32>
    %add3A_332 = arith.addf %add3A_322, %dot_general3A_331 : vector<16x128xf32>
    %slice3A_333 = vector.extract_strided_slice %reshape3A_263 {offsets = [7, 0, 0], sizes = [1, 16, 16], strides = [1, 1, 1]} : vector<8x16x16xf32> to vector<1x16x16xf32>
    %squeeze3A_334 = vector.shape_cast %slice3A_333 : vector<1x16x16xf32> to vector<16x16xf32>
    %get3A_335 = arith.constant 7 : index
    %get3A_336 = arith.constant 0 : index
    %get3A_337 = arith.constant 0 : index
    %get3A_338 = vector.load %arg2[%get3A_335, %get3A_336, %get3A_337] : memref<8x16x128xf32, #tpu.memory_space<vmem>>, vector<1x16x128xf32>
    %get3A_339 = vector.shape_cast %get3A_338 : vector<1x16x128xf32> to vector<16x128xf32>
    %dot_general3A_340 = arith.constant dense<0.000000e+00> : vector<16x128xf32>
    %dot_general3A_341 = tpu.matmul %squeeze3A_334, %get3A_339, %dot_general3A_340 {dimension_numbers = #tpu.dot_dimension_numbers<[1], [0], [0], [1], [0, 0, 1, 1], [], []>, transpose_lhs_hint = false} : vector<16x16xf32>, vector<16x128xf32>, vector<16x128xf32> -> vector<16x128xf32>
    %add3A_342 = arith.addf %add3A_332, %dot_general3A_341 : vector<16x128xf32>
    %reshape3A_343 = vector.shape_cast %add3A_342 : vector<16x128xf32> to vector<2x8x128xf32>
    %swap3A_344 = arith.constant 0 : index
    %swap3A_345 = arith.constant 24 : index
    %swap3A_346 = arith.constant 0 : index
    %swap3A_347 = vector.load %arg3[%swap3A_344, %swap3A_345, %swap3A_346] : memref<2x128x128xf32, #tpu.memory_space<vmem>>, vector<2x8x128xf32>
    tpu.vector_store %arg3[%swap3A_344, %swap3A_345, %swap3A_346], %reshape3A_343 {strides = array<i32>} : memref<2x128x128xf32, #tpu.memory_space<vmem>>, vector<2x8x128xf32>,
    %get3A_348 = arith.constant 64 : index
    %get3A_349 = arith.constant 0 : index
    %get3A_350 = vector.load %arg1[%get3A_348, %get3A_349] : memref<256x128xf32, #tpu.memory_space<vmem>>, vector<16x128xf32>
    %transpose3A_351 = tpu.transpose %get3A_350, [1, 0] : vector<16x128xf32> -> vector<128x16xf32>
    %reshape3A_352 = vector.shape_cast %transpose3A_351 : vector<128x16xf32> to vector<8x16x16xf32>
    %slice3A_353 = vector.extract_strided_slice %reshape3A_352 {offsets = [0, 0, 0], sizes = [1, 16, 16], strides = [1, 1, 1]} : vector<8x16x16xf32> to vector<1x16x16xf32>
    %squeeze3A_354 = vector.shape_cast %slice3A_353 : vector<1x16x16xf32> to vector<16x16xf32>
    %get3A_355 = arith.constant 0 : index
    %get3A_356 = arith.constant 0 : index
    %get3A_357 = arith.constant 0 : index
    %get3A_358 = vector.load %arg2[%get3A_355, %get3A_356, %get3A_357] : memref<8x16x128xf32, #tpu.memory_space<vmem>>, vector<1x16x128xf32>
    %get3A_359 = vector.shape_cast %get3A_358 : vector<1x16x128xf32> to vector<16x128xf32>
    %dot_general3A_360 = arith.constant dense<0.000000e+00> : vector<16x128xf32>
    %dot_general3A_361 = tpu.matmul %squeeze3A_354, %get3A_359, %dot_general3A_360 {dimension_numbers = #tpu.dot_dimension_numbers<[1], [0], [0], [1], [0, 0, 1, 1], [], []>, transpose_lhs_hint = false} : vector<16x16xf32>, vector<16x128xf32>, vector<16x128xf32> -> vector<16x128xf32>
    %slice3A_362 = vector.extract_strided_slice %reshape3A_352 {offsets = [1, 0, 0], sizes = [1, 16, 16], strides = [1, 1, 1]} : vector<8x16x16xf32> to vector<1x16x16xf32>
    %squeeze3A_363 = vector.shape_cast %slice3A_362 : vector<1x16x16xf32> to vector<16x16xf32>
    %get3A_364 = arith.constant 1 : index
    %get3A_365 = arith.constant 0 : index
    %get3A_366 = arith.constant 0 : index
    %get3A_367 = vector.load %arg2[%get3A_364, %get3A_365, %get3A_366] : memref<8x16x128xf32, #tpu.memory_space<vmem>>, vector<1x16x128xf32>
    %get3A_368 = vector.shape_cast %get3A_367 : vector<1x16x128xf32> to vector<16x128xf32>
    %dot_general3A_369 = arith.constant dense<0.000000e+00> : vector<16x128xf32>
    %dot_general3A_370 = tpu.matmul %squeeze3A_363, %get3A_368, %dot_general3A_369 {dimension_numbers = #tpu.dot_dimension_numbers<[1], [0], [0], [1], [0, 0, 1, 1], [], []>, transpose_lhs_hint = false} : vector<16x16xf32>, vector<16x128xf32>, vector<16x128xf32> -> vector<16x128xf32>
    %add3A_371 = arith.addf %dot_general3A_361, %dot_general3A_370 : vector<16x128xf32>
    %slice3A_372 = vector.extract_strided_slice %reshape3A_352 {offsets = [2, 0, 0], sizes = [1, 16, 16], strides = [1, 1, 1]} : vector<8x16x16xf32> to vector<1x16x16xf32>
    %squeeze3A_373 = vector.shape_cast %slice3A_372 : vector<1x16x16xf32> to vector<16x16xf32>
    %get3A_374 = arith.constant 2 : index
    %get3A_375 = arith.constant 0 : index
    %get3A_376 = arith.constant 0 : index
    %get3A_377 = vector.load %arg2[%get3A_374, %get3A_375, %get3A_376] : memref<8x16x128xf32, #tpu.memory_space<vmem>>, vector<1x16x128xf32>
    %get3A_378 = vector.shape_cast %get3A_377 : vector<1x16x128xf32> to vector<16x128xf32>
    %dot_general3A_379 = arith.constant dense<0.000000e+00> : vector<16x128xf32>
    %dot_general3A_380 = tpu.matmul %squeeze3A_373, %get3A_378, %dot_general3A_379 {dimension_numbers = #tpu.dot_dimension_numbers<[1], [0], [0], [1], [0, 0, 1, 1], [], []>, transpose_lhs_hint = false} : vector<16x16xf32>, vector<16x128xf32>, vector<16x128xf32> -> vector<16x128xf32>
    %add3A_381 = arith.addf %add3A_371, %dot_general3A_380 : vector<16x128xf32>
    %slice3A_382 = vector.extract_strided_slice %reshape3A_352 {offsets = [3, 0, 0], sizes = [1, 16, 16], strides = [1, 1, 1]} : vector<8x16x16xf32> to vector<1x16x16xf32>
    %squeeze3A_383 = vector.shape_cast %slice3A_382 : vector<1x16x16xf32> to vector<16x16xf32>
    %get3A_384 = arith.constant 3 : index
    %get3A_385 = arith.constant 0 : index
    %get3A_386 = arith.constant 0 : index
    %get3A_387 = vector.load %arg2[%get3A_384, %get3A_385, %get3A_386] : memref<8x16x128xf32, #tpu.memory_space<vmem>>, vector<1x16x128xf32>
    %get3A_388 = vector.shape_cast %get3A_387 : vector<1x16x128xf32> to vector<16x128xf32>
    %dot_general3A_389 = arith.constant dense<0.000000e+00> : vector<16x128xf32>
    %dot_general3A_390 = tpu.matmul %squeeze3A_383, %get3A_388, %dot_general3A_389 {dimension_numbers = #tpu.dot_dimension_numbers<[1], [0], [0], [1], [0, 0, 1, 1], [], []>, transpose_lhs_hint = false} : vector<16x16xf32>, vector<16x128xf32>, vector<16x128xf32> -> vector<16x128xf32>
    %add3A_391 = arith.addf %add3A_381, %dot_general3A_390 : vector<16x128xf32>
    %slice3A_392 = vector.extract_strided_slice %reshape3A_352 {offsets = [4, 0, 0], sizes = [1, 16, 16], strides = [1, 1, 1]} : vector<8x16x16xf32> to vector<1x16x16xf32>
    %squeeze3A_393 = vector.shape_cast %slice3A_392 : vector<1x16x16xf32> to vector<16x16xf32>
    %get3A_394 = arith.constant 4 : index
    %get3A_395 = arith.constant 0 : index
    %get3A_396 = arith.constant 0 : index
    %get3A_397 = vector.load %arg2[%get3A_394, %get3A_395, %get3A_396] : memref<8x16x128xf32, #tpu.memory_space<vmem>>, vector<1x16x128xf32>
    %get3A_398 = vector.shape_cast %get3A_397 : vector<1x16x128xf32> to vector<16x128xf32>
    %dot_general3A_399 = arith.constant dense<0.000000e+00> : vector<16x128xf32>
    %dot_general3A_400 = tpu.matmul %squeeze3A_393, %get3A_398, %dot_general3A_399 {dimension_numbers = #tpu.dot_dimension_numbers<[1], [0], [0], [1], [0, 0, 1, 1], [], []>, transpose_lhs_hint = false} : vector<16x16xf32>, vector<16x128xf32>, vector<16x128xf32> -> vector<16x128xf32>
    %add3A_401 = arith.addf %add3A_391, %dot_general3A_400 : vector<16x128xf32>
    %slice3A_402 = vector.extract_strided_slice %reshape3A_352 {offsets = [5, 0, 0], sizes = [1, 16, 16], strides = [1, 1, 1]} : vector<8x16x16xf32> to vector<1x16x16xf32>
    %squeeze3A_403 = vector.shape_cast %slice3A_402 : vector<1x16x16xf32> to vector<16x16xf32>
    %get3A_404 = arith.constant 5 : index
    %get3A_405 = arith.constant 0 : index
    %get3A_406 = arith.constant 0 : index
    %get3A_407 = vector.load %arg2[%get3A_404, %get3A_405, %get3A_406] : memref<8x16x128xf32, #tpu.memory_space<vmem>>, vector<1x16x128xf32>
    %get3A_408 = vector.shape_cast %get3A_407 : vector<1x16x128xf32> to vector<16x128xf32>
    %dot_general3A_409 = arith.constant dense<0.000000e+00> : vector<16x128xf32>
    %dot_general3A_410 = tpu.matmul %squeeze3A_403, %get3A_408, %dot_general3A_409 {dimension_numbers = #tpu.dot_dimension_numbers<[1], [0], [0], [1], [0, 0, 1, 1], [], []>, transpose_lhs_hint = false} : vector<16x16xf32>, vector<16x128xf32>, vector<16x128xf32> -> vector<16x128xf32>
    %add3A_411 = arith.addf %add3A_401, %dot_general3A_410 : vector<16x128xf32>
    %slice3A_412 = vector.extract_strided_slice %reshape3A_352 {offsets = [6, 0, 0], sizes = [1, 16, 16], strides = [1, 1, 1]} : vector<8x16x16xf32> to vector<1x16x16xf32>
    %squeeze3A_413 = vector.shape_cast %slice3A_412 : vector<1x16x16xf32> to vector<16x16xf32>
    %get3A_414 = arith.constant 6 : index
    %get3A_415 = arith.constant 0 : index
    %get3A_416 = arith.constant 0 : index
    %get3A_417 = vector.load %arg2[%get3A_414, %get3A_415, %get3A_416] : memref<8x16x128xf32, #tpu.memory_space<vmem>>, vector<1x16x128xf32>
    %get3A_418 = vector.shape_cast %get3A_417 : vector<1x16x128xf32> to vector<16x128xf32>
    %dot_general3A_419 = arith.constant dense<0.000000e+00> : vector<16x128xf32>
    %dot_general3A_420 = tpu.matmul %squeeze3A_413, %get3A_418, %dot_general3A_419 {dimension_numbers = #tpu.dot_dimension_numbers<[1], [0], [0], [1], [0, 0, 1, 1], [], []>, transpose_lhs_hint = false} : vector<16x16xf32>, vector<16x128xf32>, vector<16x128xf32> -> vector<16x128xf32>
    %add3A_421 = arith.addf %add3A_411, %dot_general3A_420 : vector<16x128xf32>
    %slice3A_422 = vector.extract_strided_slice %reshape3A_352 {offsets = [7, 0, 0], sizes = [1, 16, 16], strides = [1, 1, 1]} : vector<8x16x16xf32> to vector<1x16x16xf32>
    %squeeze3A_423 = vector.shape_cast %slice3A_422 : vector<1x16x16xf32> to vector<16x16xf32>
    %get3A_424 = arith.constant 7 : index
    %get3A_425 = arith.constant 0 : index
    %get3A_426 = arith.constant 0 : index
    %get3A_427 = vector.load %arg2[%get3A_424, %get3A_425, %get3A_426] : memref<8x16x128xf32, #tpu.memory_space<vmem>>, vector<1x16x128xf32>
    %get3A_428 = vector.shape_cast %get3A_427 : vector<1x16x128xf32> to vector<16x128xf32>
    %dot_general3A_429 = arith.constant dense<0.000000e+00> : vector<16x128xf32>
    %dot_general3A_430 = tpu.matmul %squeeze3A_423, %get3A_428, %dot_general3A_429 {dimension_numbers = #tpu.dot_dimension_numbers<[1], [0], [0], [1], [0, 0, 1, 1], [], []>, transpose_lhs_hint = false} : vector<16x16xf32>, vector<16x128xf32>, vector<16x128xf32> -> vector<16x128xf32>
    %add3A_431 = arith.addf %add3A_421, %dot_general3A_430 : vector<16x128xf32>
    %reshape3A_432 = vector.shape_cast %add3A_431 : vector<16x128xf32> to vector<2x8x128xf32>
    %swap3A_433 = arith.constant 0 : index
    %swap3A_434 = arith.constant 32 : index
    %swap3A_435 = arith.constant 0 : index
    %swap3A_436 = vector.load %arg3[%swap3A_433, %swap3A_434, %swap3A_435] : memref<2x128x128xf32, #tpu.memory_space<vmem>>, vector<2x8x128xf32>
    tpu.vector_store %arg3[%swap3A_433, %swap3A_434, %swap3A_435], %reshape3A_432 {strides = array<i32>} : memref<2x128x128xf32, #tpu.memory_space<vmem>>, vector<2x8x128xf32>,
    %get3A_437 = arith.constant 80 : index
    %get3A_438 = arith.constant 0 : index
    %get3A_439 = vector.load %arg1[%get3A_437, %get3A_438] : memref<256x128xf32, #tpu.memory_space<vmem>>, vector<16x128xf32>
    %transpose3A_440 = tpu.transpose %get3A_439, [1, 0] : vector<16x128xf32> -> vector<128x16xf32>
    %reshape3A_441 = vector.shape_cast %transpose3A_440 : vector<128x16xf32> to vector<8x16x16xf32>
    %slice3A_442 = vector.extract_strided_slice %reshape3A_441 {offsets = [0, 0, 0], sizes = [1, 16, 16], strides = [1, 1, 1]} : vector<8x16x16xf32> to vector<1x16x16xf32>
    %squeeze3A_443 = vector.shape_cast %slice3A_442 : vector<1x16x16xf32> to vector<16x16xf32>
    %get3A_444 = arith.constant 0 : index
    %get3A_445 = arith.constant 0 : index
    %get3A_446 = arith.constant 0 : index
    %get3A_447 = vector.load %arg2[%get3A_444, %get3A_445, %get3A_446] : memref<8x16x128xf32, #tpu.memory_space<vmem>>, vector<1x16x128xf32>
    %get3A_448 = vector.shape_cast %get3A_447 : vector<1x16x128xf32> to vector<16x128xf32>
    %dot_general3A_449 = arith.constant dense<0.000000e+00> : vector<16x128xf32>
    %dot_general3A_450 = tpu.matmul %squeeze3A_443, %get3A_448, %dot_general3A_449 {dimension_numbers = #tpu.dot_dimension_numbers<[1], [0], [0], [1], [0, 0, 1, 1], [], []>, transpose_lhs_hint = false} : vector<16x16xf32>, vector<16x128xf32>, vector<16x128xf32> -> vector<16x128xf32>
    %slice3A_451 = vector.extract_strided_slice %reshape3A_441 {offsets = [1, 0, 0], sizes = [1, 16, 16], strides = [1, 1, 1]} : vector<8x16x16xf32> to vector<1x16x16xf32>
    %squeeze3A_452 = vector.shape_cast %slice3A_451 : vector<1x16x16xf32> to vector<16x16xf32>
    %get3A_453 = arith.constant 1 : index
    %get3A_454 = arith.constant 0 : index
    %get3A_455 = arith.constant 0 : index
    %get3A_456 = vector.load %arg2[%get3A_453, %get3A_454, %get3A_455] : memref<8x16x128xf32, #tpu.memory_space<vmem>>, vector<1x16x128xf32>
    %get3A_457 = vector.shape_cast %get3A_456 : vector<1x16x128xf32> to vector<16x128xf32>
    %dot_general3A_458 = arith.constant dense<0.000000e+00> : vector<16x128xf32>
    %dot_general3A_459 = tpu.matmul %squeeze3A_452, %get3A_457, %dot_general3A_458 {dimension_numbers = #tpu.dot_dimension_numbers<[1], [0], [0], [1], [0, 0, 1, 1], [], []>, transpose_lhs_hint = false} : vector<16x16xf32>, vector<16x128xf32>, vector<16x128xf32> -> vector<16x128xf32>
    %add3A_460 = arith.addf %dot_general3A_450, %dot_general3A_459 : vector<16x128xf32>
    %slice3A_461 = vector.extract_strided_slice %reshape3A_441 {offsets = [2, 0, 0], sizes = [1, 16, 16], strides = [1, 1, 1]} : vector<8x16x16xf32> to vector<1x16x16xf32>
    %squeeze3A_462 = vector.shape_cast %slice3A_461 : vector<1x16x16xf32> to vector<16x16xf32>
    %get3A_463 = arith.constant 2 : index
    %get3A_464 = arith.constant 0 : index
    %get3A_465 = arith.constant 0 : index
    %get3A_466 = vector.load %arg2[%get3A_463, %get3A_464, %get3A_465] : memref<8x16x128xf32, #tpu.memory_space<vmem>>, vector<1x16x128xf32>
    %get3A_467 = vector.shape_cast %get3A_466 : vector<1x16x128xf32> to vector<16x128xf32>
    %dot_general3A_468 = arith.constant dense<0.000000e+00> : vector<16x128xf32>
    %dot_general3A_469 = tpu.matmul %squeeze3A_462, %get3A_467, %dot_general3A_468 {dimension_numbers = #tpu.dot_dimension_numbers<[1], [0], [0], [1], [0, 0, 1, 1], [], []>, transpose_lhs_hint = false} : vector<16x16xf32>, vector<16x128xf32>, vector<16x128xf32> -> vector<16x128xf32>
    %add3A_470 = arith.addf %add3A_460, %dot_general3A_469 : vector<16x128xf32>
    %slice3A_471 = vector.extract_strided_slice %reshape3A_441 {offsets = [3, 0, 0], sizes = [1, 16, 16], strides = [1, 1, 1]} : vector<8x16x16xf32> to vector<1x16x16xf32>
    %squeeze3A_472 = vector.shape_cast %slice3A_471 : vector<1x16x16xf32> to vector<16x16xf32>
    %get3A_473 = arith.constant 3 : index
    %get3A_474 = arith.constant 0 : index
    %get3A_475 = arith.constant 0 : index
    %get3A_476 = vector.load %arg2[%get3A_473, %get3A_474, %get3A_475] : memref<8x16x128xf32, #tpu.memory_space<vmem>>, vector<1x16x128xf32>
    %get3A_477 = vector.shape_cast %get3A_476 : vector<1x16x128xf32> to vector<16x128xf32>
    %dot_general3A_478 = arith.constant dense<0.000000e+00> : vector<16x128xf32>
    %dot_general3A_479 = tpu.matmul %squeeze3A_472, %get3A_477, %dot_general3A_478 {dimension_numbers = #tpu.dot_dimension_numbers<[1], [0], [0], [1], [0, 0, 1, 1], [], []>, transpose_lhs_hint = false} : vector<16x16xf32>, vector<16x128xf32>, vector<16x128xf32> -> vector<16x128xf32>
    %add3A_480 = arith.addf %add3A_470, %dot_general3A_479 : vector<16x128xf32>
    %slice3A_481 = vector.extract_strided_slice %reshape3A_441 {offsets = [4, 0, 0], sizes = [1, 16, 16], strides = [1, 1, 1]} : vector<8x16x16xf32> to vector<1x16x16xf32>
    %squeeze3A_482 = vector.shape_cast %slice3A_481 : vector<1x16x16xf32> to vector<16x16xf32>
    %get3A_483 = arith.constant 4 : index
    %get3A_484 = arith.constant 0 : index
    %get3A_485 = arith.constant 0 : index
    %get3A_486 = vector.load %arg2[%get3A_483, %get3A_484, %get3A_485] : memref<8x16x128xf32, #tpu.memory_space<vmem>>, vector<1x16x128xf32>
    %get3A_487 = vector.shape_cast %get3A_486 : vector<1x16x128xf32> to vector<16x128xf32>
    %dot_general3A_488 = arith.constant dense<0.000000e+00> : vector<16x128xf32>
    %dot_general3A_489 = tpu.matmul %squeeze3A_482, %get3A_487, %dot_general3A_488 {dimension_numbers = #tpu.dot_dimension_numbers<[1], [0], [0], [1], [0, 0, 1, 1], [], []>, transpose_lhs_hint = false} : vector<16x16xf32>, vector<16x128xf32>, vector<16x128xf32> -> vector<16x128xf32>
    %add3A_490 = arith.addf %add3A_480, %dot_general3A_489 : vector<16x128xf32>
    %slice3A_491 = vector.extract_strided_slice %reshape3A_441 {offsets = [5, 0, 0], sizes = [1, 16, 16], strides = [1, 1, 1]} : vector<8x16x16xf32> to vector<1x16x16xf32>
    %squeeze3A_492 = vector.shape_cast %slice3A_491 : vector<1x16x16xf32> to vector<16x16xf32>
    %get3A_493 = arith.constant 5 : index
    %get3A_494 = arith.constant 0 : index
    %get3A_495 = arith.constant 0 : index
    %get3A_496 = vector.load %arg2[%get3A_493, %get3A_494, %get3A_495] : memref<8x16x128xf32, #tpu.memory_space<vmem>>, vector<1x16x128xf32>
    %get3A_497 = vector.shape_cast %get3A_496 : vector<1x16x128xf32> to vector<16x128xf32>
    %dot_general3A_498 = arith.constant dense<0.000000e+00> : vector<16x128xf32>
    %dot_general3A_499 = tpu.matmul %squeeze3A_492, %get3A_497, %dot_general3A_498 {dimension_numbers = #tpu.dot_dimension_numbers<[1], [0], [0], [1], [0, 0, 1, 1], [], []>, transpose_lhs_hint = false} : vector<16x16xf32>, vector<16x128xf32>, vector<16x128xf32> -> vector<16x128xf32>
    %add3A_500 = arith.addf %add3A_490, %dot_general3A_499 : vector<16x128xf32>
    %slice3A_501 = vector.extract_strided_slice %reshape3A_441 {offsets = [6, 0, 0], sizes = [1, 16, 16], strides = [1, 1, 1]} : vector<8x16x16xf32> to vector<1x16x16xf32>
    %squeeze3A_502 = vector.shape_cast %slice3A_501 : vector<1x16x16xf32> to vector<16x16xf32>
    %get3A_503 = arith.constant 6 : index
    %get3A_504 = arith.constant 0 : index
    %get3A_505 = arith.constant 0 : index
    %get3A_506 = vector.load %arg2[%get3A_503, %get3A_504, %get3A_505] : memref<8x16x128xf32, #tpu.memory_space<vmem>>, vector<1x16x128xf32>
    %get3A_507 = vector.shape_cast %get3A_506 : vector<1x16x128xf32> to vector<16x128xf32>
    %dot_general3A_508 = arith.constant dense<0.000000e+00> : vector<16x128xf32>
    %dot_general3A_509 = tpu.matmul %squeeze3A_502, %get3A_507, %dot_general3A_508 {dimension_numbers = #tpu.dot_dimension_numbers<[1], [0], [0], [1], [0, 0, 1, 1], [], []>, transpose_lhs_hint = false} : vector<16x16xf32>, vector<16x128xf32>, vector<16x128xf32> -> vector<16x128xf32>
    %add3A_510 = arith.addf %add3A_500, %dot_general3A_509 : vector<16x128xf32>
    %slice3A_511 = vector.extract_strided_slice %reshape3A_441 {offsets = [7, 0, 0], sizes = [1, 16, 16], strides = [1, 1, 1]} : vector<8x16x16xf32> to vector<1x16x16xf32>
    %squeeze3A_512 = vector.shape_cast %slice3A_511 : vector<1x16x16xf32> to vector<16x16xf32>
    %get3A_513 = arith.constant 7 : index
    %get3A_514 = arith.constant 0 : index
    %get3A_515 = arith.constant 0 : index
    %get3A_516 = vector.load %arg2[%get3A_513, %get3A_514, %get3A_515] : memref<8x16x128xf32, #tpu.memory_space<vmem>>, vector<1x16x128xf32>
    %get3A_517 = vector.shape_cast %get3A_516 : vector<1x16x128xf32> to vector<16x128xf32>
    %dot_general3A_518 = arith.constant dense<0.000000e+00> : vector<16x128xf32>
    %dot_general3A_519 = tpu.matmul %squeeze3A_512, %get3A_517, %dot_general3A_518 {dimension_numbers = #tpu.dot_dimension_numbers<[1], [0], [0], [1], [0, 0, 1, 1], [], []>, transpose_lhs_hint = false} : vector<16x16xf32>, vector<16x128xf32>, vector<16x128xf32> -> vector<16x128xf32>
    %add3A_520 = arith.addf %add3A_510, %dot_general3A_519 : vector<16x128xf32>
    %reshape3A_521 = vector.shape_cast %add3A_520 : vector<16x128xf32> to vector<2x8x128xf32>
    %swap3A_522 = arith.constant 0 : index
    %swap3A_523 = arith.constant 40 : index
    %swap3A_524 = arith.constant 0 : index
    %swap3A_525 = vector.load %arg3[%swap3A_522, %swap3A_523, %swap3A_524] : memref<2x128x128xf32, #tpu.memory_space<vmem>>, vector<2x8x128xf32>
    tpu.vector_store %arg3[%swap3A_522, %swap3A_523, %swap3A_524], %reshape3A_521 {strides = array<i32>} : memref<2x128x128xf32, #tpu.memory_space<vmem>>, vector<2x8x128xf32>,
    %get3A_526 = arith.constant 96 : index
    %get3A_527 = arith.constant 0 : index
    %get3A_528 = vector.load %arg1[%get3A_526, %get3A_527] : memref<256x128xf32, #tpu.memory_space<vmem>>, vector<16x128xf32>
    %transpose3A_529 = tpu.transpose %get3A_528, [1, 0] : vector<16x128xf32> -> vector<128x16xf32>
    %reshape3A_530 = vector.shape_cast %transpose3A_529 : vector<128x16xf32> to vector<8x16x16xf32>
    %slice3A_531 = vector.extract_strided_slice %reshape3A_530 {offsets = [0, 0, 0], sizes = [1, 16, 16], strides = [1, 1, 1]} : vector<8x16x16xf32> to vector<1x16x16xf32>
    %squeeze3A_532 = vector.shape_cast %slice3A_531 : vector<1x16x16xf32> to vector<16x16xf32>
    %get3A_533 = arith.constant 0 : index
    %get3A_534 = arith.constant 0 : index
    %get3A_535 = arith.constant 0 : index
    %get3A_536 = vector.load %arg2[%get3A_533, %get3A_534, %get3A_535] : memref<8x16x128xf32, #tpu.memory_space<vmem>>, vector<1x16x128xf32>
    %get3A_537 = vector.shape_cast %get3A_536 : vector<1x16x128xf32> to vector<16x128xf32>
    %dot_general3A_538 = arith.constant dense<0.000000e+00> : vector<16x128xf32>
    %dot_general3A_539 = tpu.matmul %squeeze3A_532, %get3A_537, %dot_general3A_538 {dimension_numbers = #tpu.dot_dimension_numbers<[1], [0], [0], [1], [0, 0, 1, 1], [], []>, transpose_lhs_hint = false} : vector<16x16xf32>, vector<16x128xf32>, vector<16x128xf32> -> vector<16x128xf32>
    %slice3A_540 = vector.extract_strided_slice %reshape3A_530 {offsets = [1, 0, 0], sizes = [1, 16, 16], strides = [1, 1, 1]} : vector<8x16x16xf32> to vector<1x16x16xf32>
    %squeeze3A_541 = vector.shape_cast %slice3A_540 : vector<1x16x16xf32> to vector<16x16xf32>
    %get3A_542 = arith.constant 1 : index
    %get3A_543 = arith.constant 0 : index
    %get3A_544 = arith.constant 0 : index
    %get3A_545 = vector.load %arg2[%get3A_542, %get3A_543, %get3A_544] : memref<8x16x128xf32, #tpu.memory_space<vmem>>, vector<1x16x128xf32>
    %get3A_546 = vector.shape_cast %get3A_545 : vector<1x16x128xf32> to vector<16x128xf32>
    %dot_general3A_547 = arith.constant dense<0.000000e+00> : vector<16x128xf32>
    %dot_general3A_548 = tpu.matmul %squeeze3A_541, %get3A_546, %dot_general3A_547 {dimension_numbers = #tpu.dot_dimension_numbers<[1], [0], [0], [1], [0, 0, 1, 1], [], []>, transpose_lhs_hint = false} : vector<16x16xf32>, vector<16x128xf32>, vector<16x128xf32> -> vector<16x128xf32>
    %add3A_549 = arith.addf %dot_general3A_539, %dot_general3A_548 : vector<16x128xf32>
    %slice3A_550 = vector.extract_strided_slice %reshape3A_530 {offsets = [2, 0, 0], sizes = [1, 16, 16], strides = [1, 1, 1]} : vector<8x16x16xf32> to vector<1x16x16xf32>
    %squeeze3A_551 = vector.shape_cast %slice3A_550 : vector<1x16x16xf32> to vector<16x16xf32>
    %get3A_552 = arith.constant 2 : index
    %get3A_553 = arith.constant 0 : index
    %get3A_554 = arith.constant 0 : index
    %get3A_555 = vector.load %arg2[%get3A_552, %get3A_553, %get3A_554] : memref<8x16x128xf32, #tpu.memory_space<vmem>>, vector<1x16x128xf32>
    %get3A_556 = vector.shape_cast %get3A_555 : vector<1x16x128xf32> to vector<16x128xf32>
    %dot_general3A_557 = arith.constant dense<0.000000e+00> : vector<16x128xf32>
    %dot_general3A_558 = tpu.matmul %squeeze3A_551, %get3A_556, %dot_general3A_557 {dimension_numbers = #tpu.dot_dimension_numbers<[1], [0], [0], [1], [0, 0, 1, 1], [], []>, transpose_lhs_hint = false} : vector<16x16xf32>, vector<16x128xf32>, vector<16x128xf32> -> vector<16x128xf32>
    %add3A_559 = arith.addf %add3A_549, %dot_general3A_558 : vector<16x128xf32>
    %slice3A_560 = vector.extract_strided_slice %reshape3A_530 {offsets = [3, 0, 0], sizes = [1, 16, 16], strides = [1, 1, 1]} : vector<8x16x16xf32> to vector<1x16x16xf32>
    %squeeze3A_561 = vector.shape_cast %slice3A_560 : vector<1x16x16xf32> to vector<16x16xf32>
    %get3A_562 = arith.constant 3 : index
    %get3A_563 = arith.constant 0 : index
    %get3A_564 = arith.constant 0 : index
    %get3A_565 = vector.load %arg2[%get3A_562, %get3A_563, %get3A_564] : memref<8x16x128xf32, #tpu.memory_space<vmem>>, vector<1x16x128xf32>
    %get3A_566 = vector.shape_cast %get3A_565 : vector<1x16x128xf32> to vector<16x128xf32>
    %dot_general3A_567 = arith.constant dense<0.000000e+00> : vector<16x128xf32>
    %dot_general3A_568 = tpu.matmul %squeeze3A_561, %get3A_566, %dot_general3A_567 {dimension_numbers = #tpu.dot_dimension_numbers<[1], [0], [0], [1], [0, 0, 1, 1], [], []>, transpose_lhs_hint = false} : vector<16x16xf32>, vector<16x128xf32>, vector<16x128xf32> -> vector<16x128xf32>
    %add3A_569 = arith.addf %add3A_559, %dot_general3A_568 : vector<16x128xf32>
    %slice3A_570 = vector.extract_strided_slice %reshape3A_530 {offsets = [4, 0, 0], sizes = [1, 16, 16], strides = [1, 1, 1]} : vector<8x16x16xf32> to vector<1x16x16xf32>
    %squeeze3A_571 = vector.shape_cast %slice3A_570 : vector<1x16x16xf32> to vector<16x16xf32>
    %get3A_572 = arith.constant 4 : index
    %get3A_573 = arith.constant 0 : index
    %get3A_574 = arith.constant 0 : index
    %get3A_575 = vector.load %arg2[%get3A_572, %get3A_573, %get3A_574] : memref<8x16x128xf32, #tpu.memory_space<vmem>>, vector<1x16x128xf32>
    %get3A_576 = vector.shape_cast %get3A_575 : vector<1x16x128xf32> to vector<16x128xf32>
    %dot_general3A_577 = arith.constant dense<0.000000e+00> : vector<16x128xf32>
    %dot_general3A_578 = tpu.matmul %squeeze3A_571, %get3A_576, %dot_general3A_577 {dimension_numbers = #tpu.dot_dimension_numbers<[1], [0], [0], [1], [0, 0, 1, 1], [], []>, transpose_lhs_hint = false} : vector<16x16xf32>, vector<16x128xf32>, vector<16x128xf32> -> vector<16x128xf32>
    %add3A_579 = arith.addf %add3A_569, %dot_general3A_578 : vector<16x128xf32>
    %slice3A_580 = vector.extract_strided_slice %reshape3A_530 {offsets = [5, 0, 0], sizes = [1, 16, 16], strides = [1, 1, 1]} : vector<8x16x16xf32> to vector<1x16x16xf32>
    %squeeze3A_581 = vector.shape_cast %slice3A_580 : vector<1x16x16xf32> to vector<16x16xf32>
    %get3A_582 = arith.constant 5 : index
    %get3A_583 = arith.constant 0 : index
    %get3A_584 = arith.constant 0 : index
    %get3A_585 = vector.load %arg2[%get3A_582, %get3A_583, %get3A_584] : memref<8x16x128xf32, #tpu.memory_space<vmem>>, vector<1x16x128xf32>
    %get3A_586 = vector.shape_cast %get3A_585 : vector<1x16x128xf32> to vector<16x128xf32>
    %dot_general3A_587 = arith.constant dense<0.000000e+00> : vector<16x128xf32>
    %dot_general3A_588 = tpu.matmul %squeeze3A_581, %get3A_586, %dot_general3A_587 {dimension_numbers = #tpu.dot_dimension_numbers<[1], [0], [0], [1], [0, 0, 1, 1], [], []>, transpose_lhs_hint = false} : vector<16x16xf32>, vector<16x128xf32>, vector<16x128xf32> -> vector<16x128xf32>
    %add3A_589 = arith.addf %add3A_579, %dot_general3A_588 : vector<16x128xf32>
    %slice3A_590 = vector.extract_strided_slice %reshape3A_530 {offsets = [6, 0, 0], sizes = [1, 16, 16], strides = [1, 1, 1]} : vector<8x16x16xf32> to vector<1x16x16xf32>
    %squeeze3A_591 = vector.shape_cast %slice3A_590 : vector<1x16x16xf32> to vector<16x16xf32>
    %get3A_592 = arith.constant 6 : index
    %get3A_593 = arith.constant 0 : index
    %get3A_594 = arith.constant 0 : index
    %get3A_595 = vector.load %arg2[%get3A_592, %get3A_593, %get3A_594] : memref<8x16x128xf32, #tpu.memory_space<vmem>>, vector<1x16x128xf32>
    %get3A_596 = vector.shape_cast %get3A_595 : vector<1x16x128xf32> to vector<16x128xf32>
    %dot_general3A_597 = arith.constant dense<0.000000e+00> : vector<16x128xf32>
    %dot_general3A_598 = tpu.matmul %squeeze3A_591, %get3A_596, %dot_general3A_597 {dimension_numbers = #tpu.dot_dimension_numbers<[1], [0], [0], [1], [0, 0, 1, 1], [], []>, transpose_lhs_hint = false} : vector<16x16xf32>, vector<16x128xf32>, vector<16x128xf32> -> vector<16x128xf32>
    %add3A_599 = arith.addf %add3A_589, %dot_general3A_598 : vector<16x128xf32>
    %slice3A_600 = vector.extract_strided_slice %reshape3A_530 {offsets = [7, 0, 0], sizes = [1, 16, 16], strides = [1, 1, 1]} : vector<8x16x16xf32> to vector<1x16x16xf32>
    %squeeze3A_601 = vector.shape_cast %slice3A_600 : vector<1x16x16xf32> to vector<16x16xf32>
    %get3A_602 = arith.constant 7 : index
    %get3A_603 = arith.constant 0 : index
    %get3A_604 = arith.constant 0 : index
    %get3A_605 = vector.load %arg2[%get3A_602, %get3A_603, %get3A_604] : memref<8x16x128xf32, #tpu.memory_space<vmem>>, vector<1x16x128xf32>
    %get3A_606 = vector.shape_cast %get3A_605 : vector<1x16x128xf32> to vector<16x128xf32>
    %dot_general3A_607 = arith.constant dense<0.000000e+00> : vector<16x128xf32>
    %dot_general3A_608 = tpu.matmul %squeeze3A_601, %get3A_606, %dot_general3A_607 {dimension_numbers = #tpu.dot_dimension_numbers<[1], [0], [0], [1], [0, 0, 1, 1], [], []>, transpose_lhs_hint = false} : vector<16x16xf32>, vector<16x128xf32>, vector<16x128xf32> -> vector<16x128xf32>
    %add3A_609 = arith.addf %add3A_599, %dot_general3A_608 : vector<16x128xf32>
    %reshape3A_610 = vector.shape_cast %add3A_609 : vector<16x128xf32> to vector<2x8x128xf32>
    %swap3A_611 = arith.constant 0 : index
    %swap3A_612 = arith.constant 48 : index
    %swap3A_613 = arith.constant 0 : index
    %swap3A_614 = vector.load %arg3[%swap3A_611, %swap3A_612, %swap3A_613] : memref<2x128x128xf32, #tpu.memory_space<vmem>>, vector<2x8x128xf32>
    tpu.vector_store %arg3[%swap3A_611, %swap3A_612, %swap3A_613], %reshape3A_610 {strides = array<i32>} : memref<2x128x128xf32, #tpu.memory_space<vmem>>, vector<2x8x128xf32>,
    %get3A_615 = arith.constant 112 : index
    %get3A_616 = arith.constant 0 : index
    %get3A_617 = vector.load %arg1[%get3A_615, %get3A_616] : memref<256x128xf32, #tpu.memory_space<vmem>>, vector<16x128xf32>
    %transpose3A_618 = tpu.transpose %get3A_617, [1, 0] : vector<16x128xf32> -> vector<128x16xf32>
    %reshape3A_619 = vector.shape_cast %transpose3A_618 : vector<128x16xf32> to vector<8x16x16xf32>
    %slice3A_620 = vector.extract_strided_slice %reshape3A_619 {offsets = [0, 0, 0], sizes = [1, 16, 16], strides = [1, 1, 1]} : vector<8x16x16xf32> to vector<1x16x16xf32>
    %squeeze3A_621 = vector.shape_cast %slice3A_620 : vector<1x16x16xf32> to vector<16x16xf32>
    %get3A_622 = arith.constant 0 : index
    %get3A_623 = arith.constant 0 : index
    %get3A_624 = arith.constant 0 : index
    %get3A_625 = vector.load %arg2[%get3A_622, %get3A_623, %get3A_624] : memref<8x16x128xf32, #tpu.memory_space<vmem>>, vector<1x16x128xf32>
    %get3A_626 = vector.shape_cast %get3A_625 : vector<1x16x128xf32> to vector<16x128xf32>
    %dot_general3A_627 = arith.constant dense<0.000000e+00> : vector<16x128xf32>
    %dot_general3A_628 = tpu.matmul %squeeze3A_621, %get3A_626, %dot_general3A_627 {dimension_numbers = #tpu.dot_dimension_numbers<[1], [0], [0], [1], [0, 0, 1, 1], [], []>, transpose_lhs_hint = false} : vector<16x16xf32>, vector<16x128xf32>, vector<16x128xf32> -> vector<16x128xf32>
    %slice3A_629 = vector.extract_strided_slice %reshape3A_619 {offsets = [1, 0, 0], sizes = [1, 16, 16], strides = [1, 1, 1]} : vector<8x16x16xf32> to vector<1x16x16xf32>
    %squeeze3A_630 = vector.shape_cast %slice3A_629 : vector<1x16x16xf32> to vector<16x16xf32>
    %get3A_631 = arith.constant 1 : index
    %get3A_632 = arith.constant 0 : index
    %get3A_633 = arith.constant 0 : index
    %get3A_634 = vector.load %arg2[%get3A_631, %get3A_632, %get3A_633] : memref<8x16x128xf32, #tpu.memory_space<vmem>>, vector<1x16x128xf32>
    %get3A_635 = vector.shape_cast %get3A_634 : vector<1x16x128xf32> to vector<16x128xf32>
    %dot_general3A_636 = arith.constant dense<0.000000e+00> : vector<16x128xf32>
    %dot_general3A_637 = tpu.matmul %squeeze3A_630, %get3A_635, %dot_general3A_636 {dimension_numbers = #tpu.dot_dimension_numbers<[1], [0], [0], [1], [0, 0, 1, 1], [], []>, transpose_lhs_hint = false} : vector<16x16xf32>, vector<16x128xf32>, vector<16x128xf32> -> vector<16x128xf32>
    %add3A_638 = arith.addf %dot_general3A_628, %dot_general3A_637 : vector<16x128xf32>
    %slice3A_639 = vector.extract_strided_slice %reshape3A_619 {offsets = [2, 0, 0], sizes = [1, 16, 16], strides = [1, 1, 1]} : vector<8x16x16xf32> to vector<1x16x16xf32>
    %squeeze3A_640 = vector.shape_cast %slice3A_639 : vector<1x16x16xf32> to vector<16x16xf32>
    %get3A_641 = arith.constant 2 : index
    %get3A_642 = arith.constant 0 : index
    %get3A_643 = arith.constant 0 : index
    %get3A_644 = vector.load %arg2[%get3A_641, %get3A_642, %get3A_643] : memref<8x16x128xf32, #tpu.memory_space<vmem>>, vector<1x16x128xf32>
    %get3A_645 = vector.shape_cast %get3A_644 : vector<1x16x128xf32> to vector<16x128xf32>
    %dot_general3A_646 = arith.constant dense<0.000000e+00> : vector<16x128xf32>
    %dot_general3A_647 = tpu.matmul %squeeze3A_640, %get3A_645, %dot_general3A_646 {dimension_numbers = #tpu.dot_dimension_numbers<[1], [0], [0], [1], [0, 0, 1, 1], [], []>, transpose_lhs_hint = false} : vector<16x16xf32>, vector<16x128xf32>, vector<16x128xf32> -> vector<16x128xf32>
    %add3A_648 = arith.addf %add3A_638, %dot_general3A_647 : vector<16x128xf32>
    %slice3A_649 = vector.extract_strided_slice %reshape3A_619 {offsets = [3, 0, 0], sizes = [1, 16, 16], strides = [1, 1, 1]} : vector<8x16x16xf32> to vector<1x16x16xf32>
    %squeeze3A_650 = vector.shape_cast %slice3A_649 : vector<1x16x16xf32> to vector<16x16xf32>
    %get3A_651 = arith.constant 3 : index
    %get3A_652 = arith.constant 0 : index
    %get3A_653 = arith.constant 0 : index
    %get3A_654 = vector.load %arg2[%get3A_651, %get3A_652, %get3A_653] : memref<8x16x128xf32, #tpu.memory_space<vmem>>, vector<1x16x128xf32>
    %get3A_655 = vector.shape_cast %get3A_654 : vector<1x16x128xf32> to vector<16x128xf32>
    %dot_general3A_656 = arith.constant dense<0.000000e+00> : vector<16x128xf32>
    %dot_general3A_657 = tpu.matmul %squeeze3A_650, %get3A_655, %dot_general3A_656 {dimension_numbers = #tpu.dot_dimension_numbers<[1], [0], [0], [1], [0, 0, 1, 1], [], []>, transpose_lhs_hint = false} : vector<16x16xf32>, vector<16x128xf32>, vector<16x128xf32> -> vector<16x128xf32>
    %add3A_658 = arith.addf %add3A_648, %dot_general3A_657 : vector<16x128xf32>
    %slice3A_659 = vector.extract_strided_slice %reshape3A_619 {offsets = [4, 0, 0], sizes = [1, 16, 16], strides = [1, 1, 1]} : vector<8x16x16xf32> to vector<1x16x16xf32>
    %squeeze3A_660 = vector.shape_cast %slice3A_659 : vector<1x16x16xf32> to vector<16x16xf32>
    %get3A_661 = arith.constant 4 : index
    %get3A_662 = arith.constant 0 : index
    %get3A_663 = arith.constant 0 : index
    %get3A_664 = vector.load %arg2[%get3A_661, %get3A_662, %get3A_663] : memref<8x16x128xf32, #tpu.memory_space<vmem>>, vector<1x16x128xf32>
    %get3A_665 = vector.shape_cast %get3A_664 : vector<1x16x128xf32> to vector<16x128xf32>
    %dot_general3A_666 = arith.constant dense<0.000000e+00> : vector<16x128xf32>
    %dot_general3A_667 = tpu.matmul %squeeze3A_660, %get3A_665, %dot_general3A_666 {dimension_numbers = #tpu.dot_dimension_numbers<[1], [0], [0], [1], [0, 0, 1, 1], [], []>, transpose_lhs_hint = false} : vector<16x16xf32>, vector<16x128xf32>, vector<16x128xf32> -> vector<16x128xf32>
    %add3A_668 = arith.addf %add3A_658, %dot_general3A_667 : vector<16x128xf32>
    %slice3A_669 = vector.extract_strided_slice %reshape3A_619 {offsets = [5, 0, 0], sizes = [1, 16, 16], strides = [1, 1, 1]} : vector<8x16x16xf32> to vector<1x16x16xf32>
    %squeeze3A_670 = vector.shape_cast %slice3A_669 : vector<1x16x16xf32> to vector<16x16xf32>
    %get3A_671 = arith.constant 5 : index
    %get3A_672 = arith.constant 0 : index
    %get3A_673 = arith.constant 0 : index
    %get3A_674 = vector.load %arg2[%get3A_671, %get3A_672, %get3A_673] : memref<8x16x128xf32, #tpu.memory_space<vmem>>, vector<1x16x128xf32>
    %get3A_675 = vector.shape_cast %get3A_674 : vector<1x16x128xf32> to vector<16x128xf32>
    %dot_general3A_676 = arith.constant dense<0.000000e+00> : vector<16x128xf32>
    %dot_general3A_677 = tpu.matmul %squeeze3A_670, %get3A_675, %dot_general3A_676 {dimension_numbers = #tpu.dot_dimension_numbers<[1], [0], [0], [1], [0, 0, 1, 1], [], []>, transpose_lhs_hint = false} : vector<16x16xf32>, vector<16x128xf32>, vector<16x128xf32> -> vector<16x128xf32>
    %add3A_678 = arith.addf %add3A_668, %dot_general3A_677 : vector<16x128xf32>
    %slice3A_679 = vector.extract_strided_slice %reshape3A_619 {offsets = [6, 0, 0], sizes = [1, 16, 16], strides = [1, 1, 1]} : vector<8x16x16xf32> to vector<1x16x16xf32>
    %squeeze3A_680 = vector.shape_cast %slice3A_679 : vector<1x16x16xf32> to vector<16x16xf32>
    %get3A_681 = arith.constant 6 : index
    %get3A_682 = arith.constant 0 : index
    %get3A_683 = arith.constant 0 : index
    %get3A_684 = vector.load %arg2[%get3A_681, %get3A_682, %get3A_683] : memref<8x16x128xf32, #tpu.memory_space<vmem>>, vector<1x16x128xf32>
    %get3A_685 = vector.shape_cast %get3A_684 : vector<1x16x128xf32> to vector<16x128xf32>
    %dot_general3A_686 = arith.constant dense<0.000000e+00> : vector<16x128xf32>
    %dot_general3A_687 = tpu.matmul %squeeze3A_680, %get3A_685, %dot_general3A_686 {dimension_numbers = #tpu.dot_dimension_numbers<[1], [0], [0], [1], [0, 0, 1, 1], [], []>, transpose_lhs_hint = false} : vector<16x16xf32>, vector<16x128xf32>, vector<16x128xf32> -> vector<16x128xf32>
    %add3A_688 = arith.addf %add3A_678, %dot_general3A_687 : vector<16x128xf32>
    %slice3A_689 = vector.extract_strided_slice %reshape3A_619 {offsets = [7, 0, 0], sizes = [1, 16, 16], strides = [1, 1, 1]} : vector<8x16x16xf32> to vector<1x16x16xf32>
    %squeeze3A_690 = vector.shape_cast %slice3A_689 : vector<1x16x16xf32> to vector<16x16xf32>
    %get3A_691 = arith.constant 7 : index
    %get3A_692 = arith.constant 0 : index
    %get3A_693 = arith.constant 0 : index
    %get3A_694 = vector.load %arg2[%get3A_691, %get3A_692, %get3A_693] : memref<8x16x128xf32, #tpu.memory_space<vmem>>, vector<1x16x128xf32>
    %get3A_695 = vector.shape_cast %get3A_694 : vector<1x16x128xf32> to vector<16x128xf32>
    %dot_general3A_696 = arith.constant dense<0.000000e+00> : vector<16x128xf32>
    %dot_general3A_697 = tpu.matmul %squeeze3A_690, %get3A_695, %dot_general3A_696 {dimension_numbers = #tpu.dot_dimension_numbers<[1], [0], [0], [1], [0, 0, 1, 1], [], []>, transpose_lhs_hint = false} : vector<16x16xf32>, vector<16x128xf32>, vector<16x128xf32> -> vector<16x128xf32>
    %add3A_698 = arith.addf %add3A_688, %dot_general3A_697 : vector<16x128xf32>
    %reshape3A_699 = vector.shape_cast %add3A_698 : vector<16x128xf32> to vector<2x8x128xf32>
    %swap3A_700 = arith.constant 0 : index
    %swap3A_701 = arith.constant 56 : index
    %swap3A_702 = arith.constant 0 : index
    %swap3A_703 = vector.load %arg3[%swap3A_700, %swap3A_701, %swap3A_702] : memref<2x128x128xf32, #tpu.memory_space<vmem>>, vector<2x8x128xf32>
    tpu.vector_store %arg3[%swap3A_700, %swap3A_701, %swap3A_702], %reshape3A_699 {strides = array<i32>} : memref<2x128x128xf32, #tpu.memory_space<vmem>>, vector<2x8x128xf32>,
    %get3A_704 = arith.constant 128 : index
    %get3A_705 = arith.constant 0 : index
    %get3A_706 = vector.load %arg1[%get3A_704, %get3A_705] : memref<256x128xf32, #tpu.memory_space<vmem>>, vector<16x128xf32>
    %transpose3A_707 = tpu.transpose %get3A_706, [1, 0] : vector<16x128xf32> -> vector<128x16xf32>
    %reshape3A_708 = vector.shape_cast %transpose3A_707 : vector<128x16xf32> to vector<8x16x16xf32>
    %slice3A_709 = vector.extract_strided_slice %reshape3A_708 {offsets = [0, 0, 0], sizes = [1, 16, 16], strides = [1, 1, 1]} : vector<8x16x16xf32> to vector<1x16x16xf32>
    %squeeze3A_710 = vector.shape_cast %slice3A_709 : vector<1x16x16xf32> to vector<16x16xf32>
    %get3A_711 = arith.constant 0 : index
    %get3A_712 = arith.constant 0 : index
    %get3A_713 = arith.constant 0 : index
    %get3A_714 = vector.load %arg2[%get3A_711, %get3A_712, %get3A_713] : memref<8x16x128xf32, #tpu.memory_space<vmem>>, vector<1x16x128xf32>
    %get3A_715 = vector.shape_cast %get3A_714 : vector<1x16x128xf32> to vector<16x128xf32>
    %dot_general3A_716 = arith.constant dense<0.000000e+00> : vector<16x128xf32>
    %dot_general3A_717 = tpu.matmul %squeeze3A_710, %get3A_715, %dot_general3A_716 {dimension_numbers = #tpu.dot_dimension_numbers<[1], [0], [0], [1], [0, 0, 1, 1], [], []>, transpose_lhs_hint = false} : vector<16x16xf32>, vector<16x128xf32>, vector<16x128xf32> -> vector<16x128xf32>
    %slice3A_718 = vector.extract_strided_slice %reshape3A_708 {offsets = [1, 0, 0], sizes = [1, 16, 16], strides = [1, 1, 1]} : vector<8x16x16xf32> to vector<1x16x16xf32>
    %squeeze3A_719 = vector.shape_cast %slice3A_718 : vector<1x16x16xf32> to vector<16x16xf32>
    %get3A_720 = arith.constant 1 : index
    %get3A_721 = arith.constant 0 : index
    %get3A_722 = arith.constant 0 : index
    %get3A_723 = vector.load %arg2[%get3A_720, %get3A_721, %get3A_722] : memref<8x16x128xf32, #tpu.memory_space<vmem>>, vector<1x16x128xf32>
    %get3A_724 = vector.shape_cast %get3A_723 : vector<1x16x128xf32> to vector<16x128xf32>
    %dot_general3A_725 = arith.constant dense<0.000000e+00> : vector<16x128xf32>
    %dot_general3A_726 = tpu.matmul %squeeze3A_719, %get3A_724, %dot_general3A_725 {dimension_numbers = #tpu.dot_dimension_numbers<[1], [0], [0], [1], [0, 0, 1, 1], [], []>, transpose_lhs_hint = false} : vector<16x16xf32>, vector<16x128xf32>, vector<16x128xf32> -> vector<16x128xf32>
    %add3A_727 = arith.addf %dot_general3A_717, %dot_general3A_726 : vector<16x128xf32>
    %slice3A_728 = vector.extract_strided_slice %reshape3A_708 {offsets = [2, 0, 0], sizes = [1, 16, 16], strides = [1, 1, 1]} : vector<8x16x16xf32> to vector<1x16x16xf32>
    %squeeze3A_729 = vector.shape_cast %slice3A_728 : vector<1x16x16xf32> to vector<16x16xf32>
    %get3A_730 = arith.constant 2 : index
    %get3A_731 = arith.constant 0 : index
    %get3A_732 = arith.constant 0 : index
    %get3A_733 = vector.load %arg2[%get3A_730, %get3A_731, %get3A_732] : memref<8x16x128xf32, #tpu.memory_space<vmem>>, vector<1x16x128xf32>
    %get3A_734 = vector.shape_cast %get3A_733 : vector<1x16x128xf32> to vector<16x128xf32>
    %dot_general3A_735 = arith.constant dense<0.000000e+00> : vector<16x128xf32>
    %dot_general3A_736 = tpu.matmul %squeeze3A_729, %get3A_734, %dot_general3A_735 {dimension_numbers = #tpu.dot_dimension_numbers<[1], [0], [0], [1], [0, 0, 1, 1], [], []>, transpose_lhs_hint = false} : vector<16x16xf32>, vector<16x128xf32>, vector<16x128xf32> -> vector<16x128xf32>
    %add3A_737 = arith.addf %add3A_727, %dot_general3A_736 : vector<16x128xf32>
    %slice3A_738 = vector.extract_strided_slice %reshape3A_708 {offsets = [3, 0, 0], sizes = [1, 16, 16], strides = [1, 1, 1]} : vector<8x16x16xf32> to vector<1x16x16xf32>
    %squeeze3A_739 = vector.shape_cast %slice3A_738 : vector<1x16x16xf32> to vector<16x16xf32>
    %get3A_740 = arith.constant 3 : index
    %get3A_741 = arith.constant 0 : index
    %get3A_742 = arith.constant 0 : index
    %get3A_743 = vector.load %arg2[%get3A_740, %get3A_741, %get3A_742] : memref<8x16x128xf32, #tpu.memory_space<vmem>>, vector<1x16x128xf32>
    %get3A_744 = vector.shape_cast %get3A_743 : vector<1x16x128xf32> to vector<16x128xf32>
    %dot_general3A_745 = arith.constant dense<0.000000e+00> : vector<16x128xf32>
    %dot_general3A_746 = tpu.matmul %squeeze3A_739, %get3A_744, %dot_general3A_745 {dimension_numbers = #tpu.dot_dimension_numbers<[1], [0], [0], [1], [0, 0, 1, 1], [], []>, transpose_lhs_hint = false} : vector<16x16xf32>, vector<16x128xf32>, vector<16x128xf32> -> vector<16x128xf32>
    %add3A_747 = arith.addf %add3A_737, %dot_general3A_746 : vector<16x128xf32>
    %slice3A_748 = vector.extract_strided_slice %reshape3A_708 {offsets = [4, 0, 0], sizes = [1, 16, 16], strides = [1, 1, 1]} : vector<8x16x16xf32> to vector<1x16x16xf32>
    %squeeze3A_749 = vector.shape_cast %slice3A_748 : vector<1x16x16xf32> to vector<16x16xf32>
    %get3A_750 = arith.constant 4 : index
    %get3A_751 = arith.constant 0 : index
    %get3A_752 = arith.constant 0 : index
    %get3A_753 = vector.load %arg2[%get3A_750, %get3A_751, %get3A_752] : memref<8x16x128xf32, #tpu.memory_space<vmem>>, vector<1x16x128xf32>
    %get3A_754 = vector.shape_cast %get3A_753 : vector<1x16x128xf32> to vector<16x128xf32>
    %dot_general3A_755 = arith.constant dense<0.000000e+00> : vector<16x128xf32>
    %dot_general3A_756 = tpu.matmul %squeeze3A_749, %get3A_754, %dot_general3A_755 {dimension_numbers = #tpu.dot_dimension_numbers<[1], [0], [0], [1], [0, 0, 1, 1], [], []>, transpose_lhs_hint = false} : vector<16x16xf32>, vector<16x128xf32>, vector<16x128xf32> -> vector<16x128xf32>
    %add3A_757 = arith.addf %add3A_747, %dot_general3A_756 : vector<16x128xf32>
    %slice3A_758 = vector.extract_strided_slice %reshape3A_708 {offsets = [5, 0, 0], sizes = [1, 16, 16], strides = [1, 1, 1]} : vector<8x16x16xf32> to vector<1x16x16xf32>
    %squeeze3A_759 = vector.shape_cast %slice3A_758 : vector<1x16x16xf32> to vector<16x16xf32>
    %get3A_760 = arith.constant 5 : index
    %get3A_761 = arith.constant 0 : index
    %get3A_762 = arith.constant 0 : index
    %get3A_763 = vector.load %arg2[%get3A_760, %get3A_761, %get3A_762] : memref<8x16x128xf32, #tpu.memory_space<vmem>>, vector<1x16x128xf32>
    %get3A_764 = vector.shape_cast %get3A_763 : vector<1x16x128xf32> to vector<16x128xf32>
    %dot_general3A_765 = arith.constant dense<0.000000e+00> : vector<16x128xf32>
    %dot_general3A_766 = tpu.matmul %squeeze3A_759, %get3A_764, %dot_general3A_765 {dimension_numbers = #tpu.dot_dimension_numbers<[1], [0], [0], [1], [0, 0, 1, 1], [], []>, transpose_lhs_hint = false} : vector<16x16xf32>, vector<16x128xf32>, vector<16x128xf32> -> vector<16x128xf32>
    %add3A_767 = arith.addf %add3A_757, %dot_general3A_766 : vector<16x128xf32>
    %slice3A_768 = vector.extract_strided_slice %reshape3A_708 {offsets = [6, 0, 0], sizes = [1, 16, 16], strides = [1, 1, 1]} : vector<8x16x16xf32> to vector<1x16x16xf32>
    %squeeze3A_769 = vector.shape_cast %slice3A_768 : vector<1x16x16xf32> to vector<16x16xf32>
    %get3A_770 = arith.constant 6 : index
    %get3A_771 = arith.constant 0 : index
    %get3A_772 = arith.constant 0 : index
    %get3A_773 = vector.load %arg2[%get3A_770, %get3A_771, %get3A_772] : memref<8x16x128xf32, #tpu.memory_space<vmem>>, vector<1x16x128xf32>
    %get3A_774 = vector.shape_cast %get3A_773 : vector<1x16x128xf32> to vector<16x128xf32>
    %dot_general3A_775 = arith.constant dense<0.000000e+00> : vector<16x128xf32>
    %dot_general3A_776 = tpu.matmul %squeeze3A_769, %get3A_774, %dot_general3A_775 {dimension_numbers = #tpu.dot_dimension_numbers<[1], [0], [0], [1], [0, 0, 1, 1], [], []>, transpose_lhs_hint = false} : vector<16x16xf32>, vector<16x128xf32>, vector<16x128xf32> -> vector<16x128xf32>
    %add3A_777 = arith.addf %add3A_767, %dot_general3A_776 : vector<16x128xf32>
    %slice3A_778 = vector.extract_strided_slice %reshape3A_708 {offsets = [7, 0, 0], sizes = [1, 16, 16], strides = [1, 1, 1]} : vector<8x16x16xf32> to vector<1x16x16xf32>
    %squeeze3A_779 = vector.shape_cast %slice3A_778 : vector<1x16x16xf32> to vector<16x16xf32>
    %get3A_780 = arith.constant 7 : index
    %get3A_781 = arith.constant 0 : index
    %get3A_782 = arith.constant 0 : index
    %get3A_783 = vector.load %arg2[%get3A_780, %get3A_781, %get3A_782] : memref<8x16x128xf32, #tpu.memory_space<vmem>>, vector<1x16x128xf32>
    %get3A_784 = vector.shape_cast %get3A_783 : vector<1x16x128xf32> to vector<16x128xf32>
    %dot_general3A_785 = arith.constant dense<0.000000e+00> : vector<16x128xf32>
    %dot_general3A_786 = tpu.matmul %squeeze3A_779, %get3A_784, %dot_general3A_785 {dimension_numbers = #tpu.dot_dimension_numbers<[1], [0], [0], [1], [0, 0, 1, 1], [], []>, transpose_lhs_hint = false} : vector<16x16xf32>, vector<16x128xf32>, vector<16x128xf32> -> vector<16x128xf32>
    %add3A_787 = arith.addf %add3A_777, %dot_general3A_786 : vector<16x128xf32>
    %reshape3A_788 = vector.shape_cast %add3A_787 : vector<16x128xf32> to vector<2x8x128xf32>
    %swap3A_789 = arith.constant 0 : index
    %swap3A_790 = arith.constant 64 : index
    %swap3A_791 = arith.constant 0 : index
    %swap3A_792 = vector.load %arg3[%swap3A_789, %swap3A_790, %swap3A_791] : memref<2x128x128xf32, #tpu.memory_space<vmem>>, vector<2x8x128xf32>
    tpu.vector_store %arg3[%swap3A_789, %swap3A_790, %swap3A_791], %reshape3A_788 {strides = array<i32>} : memref<2x128x128xf32, #tpu.memory_space<vmem>>, vector<2x8x128xf32>,
    %get3A_793 = arith.constant 144 : index
    %get3A_794 = arith.constant 0 : index
    %get3A_795 = vector.load %arg1[%get3A_793, %get3A_794] : memref<256x128xf32, #tpu.memory_space<vmem>>, vector<16x128xf32>
    %transpose3A_796 = tpu.transpose %get3A_795, [1, 0] : vector<16x128xf32> -> vector<128x16xf32>
    %reshape3A_797 = vector.shape_cast %transpose3A_796 : vector<128x16xf32> to vector<8x16x16xf32>
    %slice3A_798 = vector.extract_strided_slice %reshape3A_797 {offsets = [0, 0, 0], sizes = [1, 16, 16], strides = [1, 1, 1]} : vector<8x16x16xf32> to vector<1x16x16xf32>
    %squeeze3A_799 = vector.shape_cast %slice3A_798 : vector<1x16x16xf32> to vector<16x16xf32>
    %get3A_800 = arith.constant 0 : index
    %get3A_801 = arith.constant 0 : index
    %get3A_802 = arith.constant 0 : index
    %get3A_803 = vector.load %arg2[%get3A_800, %get3A_801, %get3A_802] : memref<8x16x128xf32, #tpu.memory_space<vmem>>, vector<1x16x128xf32>
    %get3A_804 = vector.shape_cast %get3A_803 : vector<1x16x128xf32> to vector<16x128xf32>
    %dot_general3A_805 = arith.constant dense<0.000000e+00> : vector<16x128xf32>
    %dot_general3A_806 = tpu.matmul %squeeze3A_799, %get3A_804, %dot_general3A_805 {dimension_numbers = #tpu.dot_dimension_numbers<[1], [0], [0], [1], [0, 0, 1, 1], [], []>, transpose_lhs_hint = false} : vector<16x16xf32>, vector<16x128xf32>, vector<16x128xf32> -> vector<16x128xf32>
    %slice3A_807 = vector.extract_strided_slice %reshape3A_797 {offsets = [1, 0, 0], sizes = [1, 16, 16], strides = [1, 1, 1]} : vector<8x16x16xf32> to vector<1x16x16xf32>
    %squeeze3A_808 = vector.shape_cast %slice3A_807 : vector<1x16x16xf32> to vector<16x16xf32>
    %get3A_809 = arith.constant 1 : index
    %get3A_810 = arith.constant 0 : index
    %get3A_811 = arith.constant 0 : index
    %get3A_812 = vector.load %arg2[%get3A_809, %get3A_810, %get3A_811] : memref<8x16x128xf32, #tpu.memory_space<vmem>>, vector<1x16x128xf32>
    %get3A_813 = vector.shape_cast %get3A_812 : vector<1x16x128xf32> to vector<16x128xf32>
    %dot_general3A_814 = arith.constant dense<0.000000e+00> : vector<16x128xf32>
    %dot_general3A_815 = tpu.matmul %squeeze3A_808, %get3A_813, %dot_general3A_814 {dimension_numbers = #tpu.dot_dimension_numbers<[1], [0], [0], [1], [0, 0, 1, 1], [], []>, transpose_lhs_hint = false} : vector<16x16xf32>, vector<16x128xf32>, vector<16x128xf32> -> vector<16x128xf32>
    %add3A_816 = arith.addf %dot_general3A_806, %dot_general3A_815 : vector<16x128xf32>
    %slice3A_817 = vector.extract_strided_slice %reshape3A_797 {offsets = [2, 0, 0], sizes = [1, 16, 16], strides = [1, 1, 1]} : vector<8x16x16xf32> to vector<1x16x16xf32>
    %squeeze3A_818 = vector.shape_cast %slice3A_817 : vector<1x16x16xf32> to vector<16x16xf32>
    %get3A_819 = arith.constant 2 : index
    %get3A_820 = arith.constant 0 : index
    %get3A_821 = arith.constant 0 : index
    %get3A_822 = vector.load %arg2[%get3A_819, %get3A_820, %get3A_821] : memref<8x16x128xf32, #tpu.memory_space<vmem>>, vector<1x16x128xf32>
    %get3A_823 = vector.shape_cast %get3A_822 : vector<1x16x128xf32> to vector<16x128xf32>
    %dot_general3A_824 = arith.constant dense<0.000000e+00> : vector<16x128xf32>
    %dot_general3A_825 = tpu.matmul %squeeze3A_818, %get3A_823, %dot_general3A_824 {dimension_numbers = #tpu.dot_dimension_numbers<[1], [0], [0], [1], [0, 0, 1, 1], [], []>, transpose_lhs_hint = false} : vector<16x16xf32>, vector<16x128xf32>, vector<16x128xf32> -> vector<16x128xf32>
    %add3A_826 = arith.addf %add3A_816, %dot_general3A_825 : vector<16x128xf32>
    %slice3A_827 = vector.extract_strided_slice %reshape3A_797 {offsets = [3, 0, 0], sizes = [1, 16, 16], strides = [1, 1, 1]} : vector<8x16x16xf32> to vector<1x16x16xf32>
    %squeeze3A_828 = vector.shape_cast %slice3A_827 : vector<1x16x16xf32> to vector<16x16xf32>
    %get3A_829 = arith.constant 3 : index
    %get3A_830 = arith.constant 0 : index
    %get3A_831 = arith.constant 0 : index
    %get3A_832 = vector.load %arg2[%get3A_829, %get3A_830, %get3A_831] : memref<8x16x128xf32, #tpu.memory_space<vmem>>, vector<1x16x128xf32>
    %get3A_833 = vector.shape_cast %get3A_832 : vector<1x16x128xf32> to vector<16x128xf32>
    %dot_general3A_834 = arith.constant dense<0.000000e+00> : vector<16x128xf32>
    %dot_general3A_835 = tpu.matmul %squeeze3A_828, %get3A_833, %dot_general3A_834 {dimension_numbers = #tpu.dot_dimension_numbers<[1], [0], [0], [1], [0, 0, 1, 1], [], []>, transpose_lhs_hint = false} : vector<16x16xf32>, vector<16x128xf32>, vector<16x128xf32> -> vector<16x128xf32>
    %add3A_836 = arith.addf %add3A_826, %dot_general3A_835 : vector<16x128xf32>
    %slice3A_837 = vector.extract_strided_slice %reshape3A_797 {offsets = [4, 0, 0], sizes = [1, 16, 16], strides = [1, 1, 1]} : vector<8x16x16xf32> to vector<1x16x16xf32>
    %squeeze3A_838 = vector.shape_cast %slice3A_837 : vector<1x16x16xf32> to vector<16x16xf32>
    %get3A_839 = arith.constant 4 : index
    %get3A_840 = arith.constant 0 : index
    %get3A_841 = arith.constant 0 : index
    %get3A_842 = vector.load %arg2[%get3A_839, %get3A_840, %get3A_841] : memref<8x16x128xf32, #tpu.memory_space<vmem>>, vector<1x16x128xf32>
    %get3A_843 = vector.shape_cast %get3A_842 : vector<1x16x128xf32> to vector<16x128xf32>
    %dot_general3A_844 = arith.constant dense<0.000000e+00> : vector<16x128xf32>
    %dot_general3A_845 = tpu.matmul %squeeze3A_838, %get3A_843, %dot_general3A_844 {dimension_numbers = #tpu.dot_dimension_numbers<[1], [0], [0], [1], [0, 0, 1, 1], [], []>, transpose_lhs_hint = false} : vector<16x16xf32>, vector<16x128xf32>, vector<16x128xf32> -> vector<16x128xf32>
    %add3A_846 = arith.addf %add3A_836, %dot_general3A_845 : vector<16x128xf32>
    %slice3A_847 = vector.extract_strided_slice %reshape3A_797 {offsets = [5, 0, 0], sizes = [1, 16, 16], strides = [1, 1, 1]} : vector<8x16x16xf32> to vector<1x16x16xf32>
    %squeeze3A_848 = vector.shape_cast %slice3A_847 : vector<1x16x16xf32> to vector<16x16xf32>
    %get3A_849 = arith.constant 5 : index
    %get3A_850 = arith.constant 0 : index
    %get3A_851 = arith.constant 0 : index
    %get3A_852 = vector.load %arg2[%get3A_849, %get3A_850, %get3A_851] : memref<8x16x128xf32, #tpu.memory_space<vmem>>, vector<1x16x128xf32>
    %get3A_853 = vector.shape_cast %get3A_852 : vector<1x16x128xf32> to vector<16x128xf32>
    %dot_general3A_854 = arith.constant dense<0.000000e+00> : vector<16x128xf32>
    %dot_general3A_855 = tpu.matmul %squeeze3A_848, %get3A_853, %dot_general3A_854 {dimension_numbers = #tpu.dot_dimension_numbers<[1], [0], [0], [1], [0, 0, 1, 1], [], []>, transpose_lhs_hint = false} : vector<16x16xf32>, vector<16x128xf32>, vector<16x128xf32> -> vector<16x128xf32>
    %add3A_856 = arith.addf %add3A_846, %dot_general3A_855 : vector<16x128xf32>
    %slice3A_857 = vector.extract_strided_slice %reshape3A_797 {offsets = [6, 0, 0], sizes = [1, 16, 16], strides = [1, 1, 1]} : vector<8x16x16xf32> to vector<1x16x16xf32>
    %squeeze3A_858 = vector.shape_cast %slice3A_857 : vector<1x16x16xf32> to vector<16x16xf32>
    %get3A_859 = arith.constant 6 : index
    %get3A_860 = arith.constant 0 : index
    %get3A_861 = arith.constant 0 : index
    %get3A_862 = vector.load %arg2[%get3A_859, %get3A_860, %get3A_861] : memref<8x16x128xf32, #tpu.memory_space<vmem>>, vector<1x16x128xf32>
    %get3A_863 = vector.shape_cast %get3A_862 : vector<1x16x128xf32> to vector<16x128xf32>
    %dot_general3A_864 = arith.constant dense<0.000000e+00> : vector<16x128xf32>
    %dot_general3A_865 = tpu.matmul %squeeze3A_858, %get3A_863, %dot_general3A_864 {dimension_numbers = #tpu.dot_dimension_numbers<[1], [0], [0], [1], [0, 0, 1, 1], [], []>, transpose_lhs_hint = false} : vector<16x16xf32>, vector<16x128xf32>, vector<16x128xf32> -> vector<16x128xf32>
    %add3A_866 = arith.addf %add3A_856, %dot_general3A_865 : vector<16x128xf32>
    %slice3A_867 = vector.extract_strided_slice %reshape3A_797 {offsets = [7, 0, 0], sizes = [1, 16, 16], strides = [1, 1, 1]} : vector<8x16x16xf32> to vector<1x16x16xf32>
    %squeeze3A_868 = vector.shape_cast %slice3A_867 : vector<1x16x16xf32> to vector<16x16xf32>
    %get3A_869 = arith.constant 7 : index
    %get3A_870 = arith.constant 0 : index
    %get3A_871 = arith.constant 0 : index
    %get3A_872 = vector.load %arg2[%get3A_869, %get3A_870, %get3A_871] : memref<8x16x128xf32, #tpu.memory_space<vmem>>, vector<1x16x128xf32>
    %get3A_873 = vector.shape_cast %get3A_872 : vector<1x16x128xf32> to vector<16x128xf32>
    %dot_general3A_874 = arith.constant dense<0.000000e+00> : vector<16x128xf32>
    %dot_general3A_875 = tpu.matmul %squeeze3A_868, %get3A_873, %dot_general3A_874 {dimension_numbers = #tpu.dot_dimension_numbers<[1], [0], [0], [1], [0, 0, 1, 1], [], []>, transpose_lhs_hint = false} : vector<16x16xf32>, vector<16x128xf32>, vector<16x128xf32> -> vector<16x128xf32>
    %add3A_876 = arith.addf %add3A_866, %dot_general3A_875 : vector<16x128xf32>
    %reshape3A_877 = vector.shape_cast %add3A_876 : vector<16x128xf32> to vector<2x8x128xf32>
    %swap3A_878 = arith.constant 0 : index
    %swap3A_879 = arith.constant 72 : index
    %swap3A_880 = arith.constant 0 : index
    %swap3A_881 = vector.load %arg3[%swap3A_878, %swap3A_879, %swap3A_880] : memref<2x128x128xf32, #tpu.memory_space<vmem>>, vector<2x8x128xf32>
    tpu.vector_store %arg3[%swap3A_878, %swap3A_879, %swap3A_880], %reshape3A_877 {strides = array<i32>} : memref<2x128x128xf32, #tpu.memory_space<vmem>>, vector<2x8x128xf32>,
    %get3A_882 = arith.constant 160 : index
    %get3A_883 = arith.constant 0 : index
    %get3A_884 = vector.load %arg1[%get3A_882, %get3A_883] : memref<256x128xf32, #tpu.memory_space<vmem>>, vector<16x128xf32>
    %transpose3A_885 = tpu.transpose %get3A_884, [1, 0] : vector<16x128xf32> -> vector<128x16xf32>
    %reshape3A_886 = vector.shape_cast %transpose3A_885 : vector<128x16xf32> to vector<8x16x16xf32>
    %slice3A_887 = vector.extract_strided_slice %reshape3A_886 {offsets = [0, 0, 0], sizes = [1, 16, 16], strides = [1, 1, 1]} : vector<8x16x16xf32> to vector<1x16x16xf32>
    %squeeze3A_888 = vector.shape_cast %slice3A_887 : vector<1x16x16xf32> to vector<16x16xf32>
    %get3A_889 = arith.constant 0 : index
    %get3A_890 = arith.constant 0 : index
    %get3A_891 = arith.constant 0 : index
    %get3A_892 = vector.load %arg2[%get3A_889, %get3A_890, %get3A_891] : memref<8x16x128xf32, #tpu.memory_space<vmem>>, vector<1x16x128xf32>
    %get3A_893 = vector.shape_cast %get3A_892 : vector<1x16x128xf32> to vector<16x128xf32>
    %dot_general3A_894 = arith.constant dense<0.000000e+00> : vector<16x128xf32>
    %dot_general3A_895 = tpu.matmul %squeeze3A_888, %get3A_893, %dot_general3A_894 {dimension_numbers = #tpu.dot_dimension_numbers<[1], [0], [0], [1], [0, 0, 1, 1], [], []>, transpose_lhs_hint = false} : vector<16x16xf32>, vector<16x128xf32>, vector<16x128xf32> -> vector<16x128xf32>
    %slice3A_896 = vector.extract_strided_slice %reshape3A_886 {offsets = [1, 0, 0], sizes = [1, 16, 16], strides = [1, 1, 1]} : vector<8x16x16xf32> to vector<1x16x16xf32>
    %squeeze3A_897 = vector.shape_cast %slice3A_896 : vector<1x16x16xf32> to vector<16x16xf32>
    %get3A_898 = arith.constant 1 : index
    %get3A_899 = arith.constant 0 : index
    %get3A_900 = arith.constant 0 : index
    %get3A_901 = vector.load %arg2[%get3A_898, %get3A_899, %get3A_900] : memref<8x16x128xf32, #tpu.memory_space<vmem>>, vector<1x16x128xf32>
    %get3A_902 = vector.shape_cast %get3A_901 : vector<1x16x128xf32> to vector<16x128xf32>
    %dot_general3A_903 = arith.constant dense<0.000000e+00> : vector<16x128xf32>
    %dot_general3A_904 = tpu.matmul %squeeze3A_897, %get3A_902, %dot_general3A_903 {dimension_numbers = #tpu.dot_dimension_numbers<[1], [0], [0], [1], [0, 0, 1, 1], [], []>, transpose_lhs_hint = false} : vector<16x16xf32>, vector<16x128xf32>, vector<16x128xf32> -> vector<16x128xf32>
    %add3A_905 = arith.addf %dot_general3A_895, %dot_general3A_904 : vector<16x128xf32>
    %slice3A_906 = vector.extract_strided_slice %reshape3A_886 {offsets = [2, 0, 0], sizes = [1, 16, 16], strides = [1, 1, 1]} : vector<8x16x16xf32> to vector<1x16x16xf32>
    %squeeze3A_907 = vector.shape_cast %slice3A_906 : vector<1x16x16xf32> to vector<16x16xf32>
    %get3A_908 = arith.constant 2 : index
    %get3A_909 = arith.constant 0 : index
    %get3A_910 = arith.constant 0 : index
    %get3A_911 = vector.load %arg2[%get3A_908, %get3A_909, %get3A_910] : memref<8x16x128xf32, #tpu.memory_space<vmem>>, vector<1x16x128xf32>
    %get3A_912 = vector.shape_cast %get3A_911 : vector<1x16x128xf32> to vector<16x128xf32>
    %dot_general3A_913 = arith.constant dense<0.000000e+00> : vector<16x128xf32>
    %dot_general3A_914 = tpu.matmul %squeeze3A_907, %get3A_912, %dot_general3A_913 {dimension_numbers = #tpu.dot_dimension_numbers<[1], [0], [0], [1], [0, 0, 1, 1], [], []>, transpose_lhs_hint = false} : vector<16x16xf32>, vector<16x128xf32>, vector<16x128xf32> -> vector<16x128xf32>
    %add3A_915 = arith.addf %add3A_905, %dot_general3A_914 : vector<16x128xf32>
    %slice3A_916 = vector.extract_strided_slice %reshape3A_886 {offsets = [3, 0, 0], sizes = [1, 16, 16], strides = [1, 1, 1]} : vector<8x16x16xf32> to vector<1x16x16xf32>
    %squeeze3A_917 = vector.shape_cast %slice3A_916 : vector<1x16x16xf32> to vector<16x16xf32>
    %get3A_918 = arith.constant 3 : index
    %get3A_919 = arith.constant 0 : index
    %get3A_920 = arith.constant 0 : index
    %get3A_921 = vector.load %arg2[%get3A_918, %get3A_919, %get3A_920] : memref<8x16x128xf32, #tpu.memory_space<vmem>>, vector<1x16x128xf32>
    %get3A_922 = vector.shape_cast %get3A_921 : vector<1x16x128xf32> to vector<16x128xf32>
    %dot_general3A_923 = arith.constant dense<0.000000e+00> : vector<16x128xf32>
    %dot_general3A_924 = tpu.matmul %squeeze3A_917, %get3A_922, %dot_general3A_923 {dimension_numbers = #tpu.dot_dimension_numbers<[1], [0], [0], [1], [0, 0, 1, 1], [], []>, transpose_lhs_hint = false} : vector<16x16xf32>, vector<16x128xf32>, vector<16x128xf32> -> vector<16x128xf32>
    %add3A_925 = arith.addf %add3A_915, %dot_general3A_924 : vector<16x128xf32>
    %slice3A_926 = vector.extract_strided_slice %reshape3A_886 {offsets = [4, 0, 0], sizes = [1, 16, 16], strides = [1, 1, 1]} : vector<8x16x16xf32> to vector<1x16x16xf32>
    %squeeze3A_927 = vector.shape_cast %slice3A_926 : vector<1x16x16xf32> to vector<16x16xf32>
    %get3A_928 = arith.constant 4 : index
    %get3A_929 = arith.constant 0 : index
    %get3A_930 = arith.constant 0 : index
    %get3A_931 = vector.load %arg2[%get3A_928, %get3A_929, %get3A_930] : memref<8x16x128xf32, #tpu.memory_space<vmem>>, vector<1x16x128xf32>
    %get3A_932 = vector.shape_cast %get3A_931 : vector<1x16x128xf32> to vector<16x128xf32>
    %dot_general3A_933 = arith.constant dense<0.000000e+00> : vector<16x128xf32>
    %dot_general3A_934 = tpu.matmul %squeeze3A_927, %get3A_932, %dot_general3A_933 {dimension_numbers = #tpu.dot_dimension_numbers<[1], [0], [0], [1], [0, 0, 1, 1], [], []>, transpose_lhs_hint = false} : vector<16x16xf32>, vector<16x128xf32>, vector<16x128xf32> -> vector<16x128xf32>
    %add3A_935 = arith.addf %add3A_925, %dot_general3A_934 : vector<16x128xf32>
    %slice3A_936 = vector.extract_strided_slice %reshape3A_886 {offsets = [5, 0, 0], sizes = [1, 16, 16], strides = [1, 1, 1]} : vector<8x16x16xf32> to vector<1x16x16xf32>
    %squeeze3A_937 = vector.shape_cast %slice3A_936 : vector<1x16x16xf32> to vector<16x16xf32>
    %get3A_938 = arith.constant 5 : index
    %get3A_939 = arith.constant 0 : index
    %get3A_940 = arith.constant 0 : index
    %get3A_941 = vector.load %arg2[%get3A_938, %get3A_939, %get3A_940] : memref<8x16x128xf32, #tpu.memory_space<vmem>>, vector<1x16x128xf32>
    %get3A_942 = vector.shape_cast %get3A_941 : vector<1x16x128xf32> to vector<16x128xf32>
    %dot_general3A_943 = arith.constant dense<0.000000e+00> : vector<16x128xf32>
    %dot_general3A_944 = tpu.matmul %squeeze3A_937, %get3A_942, %dot_general3A_943 {dimension_numbers = #tpu.dot_dimension_numbers<[1], [0], [0], [1], [0, 0, 1, 1], [], []>, transpose_lhs_hint = false} : vector<16x16xf32>, vector<16x128xf32>, vector<16x128xf32> -> vector<16x128xf32>
    %add3A_945 = arith.addf %add3A_935, %dot_general3A_944 : vector<16x128xf32>
    %slice3A_946 = vector.extract_strided_slice %reshape3A_886 {offsets = [6, 0, 0], sizes = [1, 16, 16], strides = [1, 1, 1]} : vector<8x16x16xf32> to vector<1x16x16xf32>
    %squeeze3A_947 = vector.shape_cast %slice3A_946 : vector<1x16x16xf32> to vector<16x16xf32>
    %get3A_948 = arith.constant 6 : index
    %get3A_949 = arith.constant 0 : index
    %get3A_950 = arith.constant 0 : index
    %get3A_951 = vector.load %arg2[%get3A_948, %get3A_949, %get3A_950] : memref<8x16x128xf32, #tpu.memory_space<vmem>>, vector<1x16x128xf32>
    %get3A_952 = vector.shape_cast %get3A_951 : vector<1x16x128xf32> to vector<16x128xf32>
    %dot_general3A_953 = arith.constant dense<0.000000e+00> : vector<16x128xf32>
    %dot_general3A_954 = tpu.matmul %squeeze3A_947, %get3A_952, %dot_general3A_953 {dimension_numbers = #tpu.dot_dimension_numbers<[1], [0], [0], [1], [0, 0, 1, 1], [], []>, transpose_lhs_hint = false} : vector<16x16xf32>, vector<16x128xf32>, vector<16x128xf32> -> vector<16x128xf32>
    %add3A_955 = arith.addf %add3A_945, %dot_general3A_954 : vector<16x128xf32>
    %slice3A_956 = vector.extract_strided_slice %reshape3A_886 {offsets = [7, 0, 0], sizes = [1, 16, 16], strides = [1, 1, 1]} : vector<8x16x16xf32> to vector<1x16x16xf32>
    %squeeze3A_957 = vector.shape_cast %slice3A_956 : vector<1x16x16xf32> to vector<16x16xf32>
    %get3A_958 = arith.constant 7 : index
    %get3A_959 = arith.constant 0 : index
    %get3A_960 = arith.constant 0 : index
    %get3A_961 = vector.load %arg2[%get3A_958, %get3A_959, %get3A_960] : memref<8x16x128xf32, #tpu.memory_space<vmem>>, vector<1x16x128xf32>
    %get3A_962 = vector.shape_cast %get3A_961 : vector<1x16x128xf32> to vector<16x128xf32>
    %dot_general3A_963 = arith.constant dense<0.000000e+00> : vector<16x128xf32>
    %dot_general3A_964 = tpu.matmul %squeeze3A_957, %get3A_962, %dot_general3A_963 {dimension_numbers = #tpu.dot_dimension_numbers<[1], [0], [0], [1], [0, 0, 1, 1], [], []>, transpose_lhs_hint = false} : vector<16x16xf32>, vector<16x128xf32>, vector<16x128xf32> -> vector<16x128xf32>
    %add3A_965 = arith.addf %add3A_955, %dot_general3A_964 : vector<16x128xf32>
    %reshape3A_966 = vector.shape_cast %add3A_965 : vector<16x128xf32> to vector<2x8x128xf32>
    %swap3A_967 = arith.constant 0 : index
    %swap3A_968 = arith.constant 80 : index
    %swap3A_969 = arith.constant 0 : index
    %swap3A_970 = vector.load %arg3[%swap3A_967, %swap3A_968, %swap3A_969] : memref<2x128x128xf32, #tpu.memory_space<vmem>>, vector<2x8x128xf32>
    tpu.vector_store %arg3[%swap3A_967, %swap3A_968, %swap3A_969], %reshape3A_966 {strides = array<i32>} : memref<2x128x128xf32, #tpu.memory_space<vmem>>, vector<2x8x128xf32>,
    %get3A_971 = arith.constant 176 : index
    %get3A_972 = arith.constant 0 : index
    %get3A_973 = vector.load %arg1[%get3A_971, %get3A_972] : memref<256x128xf32, #tpu.memory_space<vmem>>, vector<16x128xf32>
    %transpose3A_974 = tpu.transpose %get3A_973, [1, 0] : vector<16x128xf32> -> vector<128x16xf32>
    %reshape3A_975 = vector.shape_cast %transpose3A_974 : vector<128x16xf32> to vector<8x16x16xf32>
    %slice3A_976 = vector.extract_strided_slice %reshape3A_975 {offsets = [0, 0, 0], sizes = [1, 16, 16], strides = [1, 1, 1]} : vector<8x16x16xf32> to vector<1x16x16xf32>
    %squeeze3A_977 = vector.shape_cast %slice3A_976 : vector<1x16x16xf32> to vector<16x16xf32>
    %get3A_978 = arith.constant 0 : index
    %get3A_979 = arith.constant 0 : index
    %get3A_980 = arith.constant 0 : index
    %get3A_981 = vector.load %arg2[%get3A_978, %get3A_979, %get3A_980] : memref<8x16x128xf32, #tpu.memory_space<vmem>>, vector<1x16x128xf32>
    %get3A_982 = vector.shape_cast %get3A_981 : vector<1x16x128xf32> to vector<16x128xf32>
    %dot_general3A_983 = arith.constant dense<0.000000e+00> : vector<16x128xf32>
    %dot_general3A_984 = tpu.matmul %squeeze3A_977, %get3A_982, %dot_general3A_983 {dimension_numbers = #tpu.dot_dimension_numbers<[1], [0], [0], [1], [0, 0, 1, 1], [], []>, transpose_lhs_hint = false} : vector<16x16xf32>, vector<16x128xf32>, vector<16x128xf32> -> vector<16x128xf32>
    %slice3A_985 = vector.extract_strided_slice %reshape3A_975 {offsets = [1, 0, 0], sizes = [1, 16, 16], strides = [1, 1, 1]} : vector<8x16x16xf32> to vector<1x16x16xf32>
    %squeeze3A_986 = vector.shape_cast %slice3A_985 : vector<1x16x16xf32> to vector<16x16xf32>
    %get3A_987 = arith.constant 1 : index
    %get3A_988 = arith.constant 0 : index
    %get3A_989 = arith.constant 0 : index
    %get3A_990 = vector.load %arg2[%get3A_987, %get3A_988, %get3A_989] : memref<8x16x128xf32, #tpu.memory_space<vmem>>, vector<1x16x128xf32>
    %get3A_991 = vector.shape_cast %get3A_990 : vector<1x16x128xf32> to vector<16x128xf32>
    %dot_general3A_992 = arith.constant dense<0.000000e+00> : vector<16x128xf32>
    %dot_general3A_993 = tpu.matmul %squeeze3A_986, %get3A_991, %dot_general3A_992 {dimension_numbers = #tpu.dot_dimension_numbers<[1], [0], [0], [1], [0, 0, 1, 1], [], []>, transpose_lhs_hint = false} : vector<16x16xf32>, vector<16x128xf32>, vector<16x128xf32> -> vector<16x128xf32>
    %add3A_994 = arith.addf %dot_general3A_984, %dot_general3A_993 : vector<16x128xf32>
    %slice3A_995 = vector.extract_strided_slice %reshape3A_975 {offsets = [2, 0, 0], sizes = [1, 16, 16], strides = [1, 1, 1]} : vector<8x16x16xf32> to vector<1x16x16xf32>
    %squeeze3A_996 = vector.shape_cast %slice3A_995 : vector<1x16x16xf32> to vector<16x16xf32>
    %get3A_997 = arith.constant 2 : index
    %get3A_998 = arith.constant 0 : index
    %get3A_999 = arith.constant 0 : index
    %get3A_1000 = vector.load %arg2[%get3A_997, %get3A_998, %get3A_999] : memref<8x16x128xf32, #tpu.memory_space<vmem>>, vector<1x16x128xf32>
    %get3A_1001 = vector.shape_cast %get3A_1000 : vector<1x16x128xf32> to vector<16x128xf32>
    %dot_general3A_1002 = arith.constant dense<0.000000e+00> : vector<16x128xf32>
    %dot_general3A_1003 = tpu.matmul %squeeze3A_996, %get3A_1001, %dot_general3A_1002 {dimension_numbers = #tpu.dot_dimension_numbers<[1], [0], [0], [1], [0, 0, 1, 1], [], []>, transpose_lhs_hint = false} : vector<16x16xf32>, vector<16x128xf32>, vector<16x128xf32> -> vector<16x128xf32>
    %add3A_1004 = arith.addf %add3A_994, %dot_general3A_1003 : vector<16x128xf32>
    %slice3A_1005 = vector.extract_strided_slice %reshape3A_975 {offsets = [3, 0, 0], sizes = [1, 16, 16], strides = [1, 1, 1]} : vector<8x16x16xf32> to vector<1x16x16xf32>
    %squeeze3A_1006 = vector.shape_cast %slice3A_1005 : vector<1x16x16xf32> to vector<16x16xf32>
    %get3A_1007 = arith.constant 3 : index
    %get3A_1008 = arith.constant 0 : index
    %get3A_1009 = arith.constant 0 : index
    %get3A_1010 = vector.load %arg2[%get3A_1007, %get3A_1008, %get3A_1009] : memref<8x16x128xf32, #tpu.memory_space<vmem>>, vector<1x16x128xf32>
    %get3A_1011 = vector.shape_cast %get3A_1010 : vector<1x16x128xf32> to vector<16x128xf32>
    %dot_general3A_1012 = arith.constant dense<0.000000e+00> : vector<16x128xf32>
    %dot_general3A_1013 = tpu.matmul %squeeze3A_1006, %get3A_1011, %dot_general3A_1012 {dimension_numbers = #tpu.dot_dimension_numbers<[1], [0], [0], [1], [0, 0, 1, 1], [], []>, transpose_lhs_hint = false} : vector<16x16xf32>, vector<16x128xf32>, vector<16x128xf32> -> vector<16x128xf32>
    %add3A_1014 = arith.addf %add3A_1004, %dot_general3A_1013 : vector<16x128xf32>
    %slice3A_1015 = vector.extract_strided_slice %reshape3A_975 {offsets = [4, 0, 0], sizes = [1, 16, 16], strides = [1, 1, 1]} : vector<8x16x16xf32> to vector<1x16x16xf32>
    %squeeze3A_1016 = vector.shape_cast %slice3A_1015 : vector<1x16x16xf32> to vector<16x16xf32>
    %get3A_1017 = arith.constant 4 : index
    %get3A_1018 = arith.constant 0 : index
    %get3A_1019 = arith.constant 0 : index
    %get3A_1020 = vector.load %arg2[%get3A_1017, %get3A_1018, %get3A_1019] : memref<8x16x128xf32, #tpu.memory_space<vmem>>, vector<1x16x128xf32>
    %get3A_1021 = vector.shape_cast %get3A_1020 : vector<1x16x128xf32> to vector<16x128xf32>
    %dot_general3A_1022 = arith.constant dense<0.000000e+00> : vector<16x128xf32>
    %dot_general3A_1023 = tpu.matmul %squeeze3A_1016, %get3A_1021, %dot_general3A_1022 {dimension_numbers = #tpu.dot_dimension_numbers<[1], [0], [0], [1], [0, 0, 1, 1], [], []>, transpose_lhs_hint = false} : vector<16x16xf32>, vector<16x128xf32>, vector<16x128xf32> -> vector<16x128xf32>
    %add3A_1024 = arith.addf %add3A_1014, %dot_general3A_1023 : vector<16x128xf32>
    %slice3A_1025 = vector.extract_strided_slice %reshape3A_975 {offsets = [5, 0, 0], sizes = [1, 16, 16], strides = [1, 1, 1]} : vector<8x16x16xf32> to vector<1x16x16xf32>
    %squeeze3A_1026 = vector.shape_cast %slice3A_1025 : vector<1x16x16xf32> to vector<16x16xf32>
    %get3A_1027 = arith.constant 5 : index
    %get3A_1028 = arith.constant 0 : index
    %get3A_1029 = arith.constant 0 : index
    %get3A_1030 = vector.load %arg2[%get3A_1027, %get3A_1028, %get3A_1029] : memref<8x16x128xf32, #tpu.memory_space<vmem>>, vector<1x16x128xf32>
    %get3A_1031 = vector.shape_cast %get3A_1030 : vector<1x16x128xf32> to vector<16x128xf32>
    %dot_general3A_1032 = arith.constant dense<0.000000e+00> : vector<16x128xf32>
    %dot_general3A_1033 = tpu.matmul %squeeze3A_1026, %get3A_1031, %dot_general3A_1032 {dimension_numbers = #tpu.dot_dimension_numbers<[1], [0], [0], [1], [0, 0, 1, 1], [], []>, transpose_lhs_hint = false} : vector<16x16xf32>, vector<16x128xf32>, vector<16x128xf32> -> vector<16x128xf32>
    %add3A_1034 = arith.addf %add3A_1024, %dot_general3A_1033 : vector<16x128xf32>
    %slice3A_1035 = vector.extract_strided_slice %reshape3A_975 {offsets = [6, 0, 0], sizes = [1, 16, 16], strides = [1, 1, 1]} : vector<8x16x16xf32> to vector<1x16x16xf32>
    %squeeze3A_1036 = vector.shape_cast %slice3A_1035 : vector<1x16x16xf32> to vector<16x16xf32>
    %get3A_1037 = arith.constant 6 : index
    %get3A_1038 = arith.constant 0 : index
    %get3A_1039 = arith.constant 0 : index
    %get3A_1040 = vector.load %arg2[%get3A_1037, %get3A_1038, %get3A_1039] : memref<8x16x128xf32, #tpu.memory_space<vmem>>, vector<1x16x128xf32>
    %get3A_1041 = vector.shape_cast %get3A_1040 : vector<1x16x128xf32> to vector<16x128xf32>
    %dot_general3A_1042 = arith.constant dense<0.000000e+00> : vector<16x128xf32>
    %dot_general3A_1043 = tpu.matmul %squeeze3A_1036, %get3A_1041, %dot_general3A_1042 {dimension_numbers = #tpu.dot_dimension_numbers<[1], [0], [0], [1], [0, 0, 1, 1], [], []>, transpose_lhs_hint = false} : vector<16x16xf32>, vector<16x128xf32>, vector<16x128xf32> -> vector<16x128xf32>
    %add3A_1044 = arith.addf %add3A_1034, %dot_general3A_1043 : vector<16x128xf32>
    %slice3A_1045 = vector.extract_strided_slice %reshape3A_975 {offsets = [7, 0, 0], sizes = [1, 16, 16], strides = [1, 1, 1]} : vector<8x16x16xf32> to vector<1x16x16xf32>
    %squeeze3A_1046 = vector.shape_cast %slice3A_1045 : vector<1x16x16xf32> to vector<16x16xf32>
    %get3A_1047 = arith.constant 7 : index
    %get3A_1048 = arith.constant 0 : index
    %get3A_1049 = arith.constant 0 : index
    %get3A_1050 = vector.load %arg2[%get3A_1047, %get3A_1048, %get3A_1049] : memref<8x16x128xf32, #tpu.memory_space<vmem>>, vector<1x16x128xf32>
    %get3A_1051 = vector.shape_cast %get3A_1050 : vector<1x16x128xf32> to vector<16x128xf32>
    %dot_general3A_1052 = arith.constant dense<0.000000e+00> : vector<16x128xf32>
    %dot_general3A_1053 = tpu.matmul %squeeze3A_1046, %get3A_1051, %dot_general3A_1052 {dimension_numbers = #tpu.dot_dimension_numbers<[1], [0], [0], [1], [0, 0, 1, 1], [], []>, transpose_lhs_hint = false} : vector<16x16xf32>, vector<16x128xf32>, vector<16x128xf32> -> vector<16x128xf32>
    %add3A_1054 = arith.addf %add3A_1044, %dot_general3A_1053 : vector<16x128xf32>
    %reshape3A_1055 = vector.shape_cast %add3A_1054 : vector<16x128xf32> to vector<2x8x128xf32>
    %swap3A_1056 = arith.constant 0 : index
    %swap3A_1057 = arith.constant 88 : index
    %swap3A_1058 = arith.constant 0 : index
    %swap3A_1059 = vector.load %arg3[%swap3A_1056, %swap3A_1057, %swap3A_1058] : memref<2x128x128xf32, #tpu.memory_space<vmem>>, vector<2x8x128xf32>
    tpu.vector_store %arg3[%swap3A_1056, %swap3A_1057, %swap3A_1058], %reshape3A_1055 {strides = array<i32>} : memref<2x128x128xf32, #tpu.memory_space<vmem>>, vector<2x8x128xf32>,
    %get3A_1060 = arith.constant 192 : index
    %get3A_1061 = arith.constant 0 : index
    %get3A_1062 = vector.load %arg1[%get3A_1060, %get3A_1061] : memref<256x128xf32, #tpu.memory_space<vmem>>, vector<16x128xf32>
    %transpose3A_1063 = tpu.transpose %get3A_1062, [1, 0] : vector<16x128xf32> -> vector<128x16xf32>
    %reshape3A_1064 = vector.shape_cast %transpose3A_1063 : vector<128x16xf32> to vector<8x16x16xf32>
    %slice3A_1065 = vector.extract_strided_slice %reshape3A_1064 {offsets = [0, 0, 0], sizes = [1, 16, 16], strides = [1, 1, 1]} : vector<8x16x16xf32> to vector<1x16x16xf32>
    %squeeze3A_1066 = vector.shape_cast %slice3A_1065 : vector<1x16x16xf32> to vector<16x16xf32>
    %get3A_1067 = arith.constant 0 : index
    %get3A_1068 = arith.constant 0 : index
    %get3A_1069 = arith.constant 0 : index
    %get3A_1070 = vector.load %arg2[%get3A_1067, %get3A_1068, %get3A_1069] : memref<8x16x128xf32, #tpu.memory_space<vmem>>, vector<1x16x128xf32>
    %get3A_1071 = vector.shape_cast %get3A_1070 : vector<1x16x128xf32> to vector<16x128xf32>
    %dot_general3A_1072 = arith.constant dense<0.000000e+00> : vector<16x128xf32>
    %dot_general3A_1073 = tpu.matmul %squeeze3A_1066, %get3A_1071, %dot_general3A_1072 {dimension_numbers = #tpu.dot_dimension_numbers<[1], [0], [0], [1], [0, 0, 1, 1], [], []>, transpose_lhs_hint = false} : vector<16x16xf32>, vector<16x128xf32>, vector<16x128xf32> -> vector<16x128xf32>
    %slice3A_1074 = vector.extract_strided_slice %reshape3A_1064 {offsets = [1, 0, 0], sizes = [1, 16, 16], strides = [1, 1, 1]} : vector<8x16x16xf32> to vector<1x16x16xf32>
    %squeeze3A_1075 = vector.shape_cast %slice3A_1074 : vector<1x16x16xf32> to vector<16x16xf32>
    %get3A_1076 = arith.constant 1 : index
    %get3A_1077 = arith.constant 0 : index
    %get3A_1078 = arith.constant 0 : index
    %get3A_1079 = vector.load %arg2[%get3A_1076, %get3A_1077, %get3A_1078] : memref<8x16x128xf32, #tpu.memory_space<vmem>>, vector<1x16x128xf32>
    %get3A_1080 = vector.shape_cast %get3A_1079 : vector<1x16x128xf32> to vector<16x128xf32>
    %dot_general3A_1081 = arith.constant dense<0.000000e+00> : vector<16x128xf32>
    %dot_general3A_1082 = tpu.matmul %squeeze3A_1075, %get3A_1080, %dot_general3A_1081 {dimension_numbers = #tpu.dot_dimension_numbers<[1], [0], [0], [1], [0, 0, 1, 1], [], []>, transpose_lhs_hint = false} : vector<16x16xf32>, vector<16x128xf32>, vector<16x128xf32> -> vector<16x128xf32>
    %add3A_1083 = arith.addf %dot_general3A_1073, %dot_general3A_1082 : vector<16x128xf32>
    %slice3A_1084 = vector.extract_strided_slice %reshape3A_1064 {offsets = [2, 0, 0], sizes = [1, 16, 16], strides = [1, 1, 1]} : vector<8x16x16xf32> to vector<1x16x16xf32>
    %squeeze3A_1085 = vector.shape_cast %slice3A_1084 : vector<1x16x16xf32> to vector<16x16xf32>
    %get3A_1086 = arith.constant 2 : index
    %get3A_1087 = arith.constant 0 : index
    %get3A_1088 = arith.constant 0 : index
    %get3A_1089 = vector.load %arg2[%get3A_1086, %get3A_1087, %get3A_1088] : memref<8x16x128xf32, #tpu.memory_space<vmem>>, vector<1x16x128xf32>
    %get3A_1090 = vector.shape_cast %get3A_1089 : vector<1x16x128xf32> to vector<16x128xf32>
    %dot_general3A_1091 = arith.constant dense<0.000000e+00> : vector<16x128xf32>
    %dot_general3A_1092 = tpu.matmul %squeeze3A_1085, %get3A_1090, %dot_general3A_1091 {dimension_numbers = #tpu.dot_dimension_numbers<[1], [0], [0], [1], [0, 0, 1, 1], [], []>, transpose_lhs_hint = false} : vector<16x16xf32>, vector<16x128xf32>, vector<16x128xf32> -> vector<16x128xf32>
    %add3A_1093 = arith.addf %add3A_1083, %dot_general3A_1092 : vector<16x128xf32>
    %slice3A_1094 = vector.extract_strided_slice %reshape3A_1064 {offsets = [3, 0, 0], sizes = [1, 16, 16], strides = [1, 1, 1]} : vector<8x16x16xf32> to vector<1x16x16xf32>
    %squeeze3A_1095 = vector.shape_cast %slice3A_1094 : vector<1x16x16xf32> to vector<16x16xf32>
    %get3A_1096 = arith.constant 3 : index
    %get3A_1097 = arith.constant 0 : index
    %get3A_1098 = arith.constant 0 : index
    %get3A_1099 = vector.load %arg2[%get3A_1096, %get3A_1097, %get3A_1098] : memref<8x16x128xf32, #tpu.memory_space<vmem>>, vector<1x16x128xf32>
    %get3A_1100 = vector.shape_cast %get3A_1099 : vector<1x16x128xf32> to vector<16x128xf32>
    %dot_general3A_1101 = arith.constant dense<0.000000e+00> : vector<16x128xf32>
    %dot_general3A_1102 = tpu.matmul %squeeze3A_1095, %get3A_1100, %dot_general3A_1101 {dimension_numbers = #tpu.dot_dimension_numbers<[1], [0], [0], [1], [0, 0, 1, 1], [], []>, transpose_lhs_hint = false} : vector<16x16xf32>, vector<16x128xf32>, vector<16x128xf32> -> vector<16x128xf32>
    %add3A_1103 = arith.addf %add3A_1093, %dot_general3A_1102 : vector<16x128xf32>
    %slice3A_1104 = vector.extract_strided_slice %reshape3A_1064 {offsets = [4, 0, 0], sizes = [1, 16, 16], strides = [1, 1, 1]} : vector<8x16x16xf32> to vector<1x16x16xf32>
    %squeeze3A_1105 = vector.shape_cast %slice3A_1104 : vector<1x16x16xf32> to vector<16x16xf32>
    %get3A_1106 = arith.constant 4 : index
    %get3A_1107 = arith.constant 0 : index
    %get3A_1108 = arith.constant 0 : index
    %get3A_1109 = vector.load %arg2[%get3A_1106, %get3A_1107, %get3A_1108] : memref<8x16x128xf32, #tpu.memory_space<vmem>>, vector<1x16x128xf32>
    %get3A_1110 = vector.shape_cast %get3A_1109 : vector<1x16x128xf32> to vector<16x128xf32>
    %dot_general3A_1111 = arith.constant dense<0.000000e+00> : vector<16x128xf32>
    %dot_general3A_1112 = tpu.matmul %squeeze3A_1105, %get3A_1110, %dot_general3A_1111 {dimension_numbers = #tpu.dot_dimension_numbers<[1], [0], [0], [1], [0, 0, 1, 1], [], []>, transpose_lhs_hint = false} : vector<16x16xf32>, vector<16x128xf32>, vector<16x128xf32> -> vector<16x128xf32>
    %add3A_1113 = arith.addf %add3A_1103, %dot_general3A_1112 : vector<16x128xf32>
    %slice3A_1114 = vector.extract_strided_slice %reshape3A_1064 {offsets = [5, 0, 0], sizes = [1, 16, 16], strides = [1, 1, 1]} : vector<8x16x16xf32> to vector<1x16x16xf32>
    %squeeze3A_1115 = vector.shape_cast %slice3A_1114 : vector<1x16x16xf32> to vector<16x16xf32>
    %get3A_1116 = arith.constant 5 : index
    %get3A_1117 = arith.constant 0 : index
    %get3A_1118 = arith.constant 0 : index
    %get3A_1119 = vector.load %arg2[%get3A_1116, %get3A_1117, %get3A_1118] : memref<8x16x128xf32, #tpu.memory_space<vmem>>, vector<1x16x128xf32>
    %get3A_1120 = vector.shape_cast %get3A_1119 : vector<1x16x128xf32> to vector<16x128xf32>
    %dot_general3A_1121 = arith.constant dense<0.000000e+00> : vector<16x128xf32>
    %dot_general3A_1122 = tpu.matmul %squeeze3A_1115, %get3A_1120, %dot_general3A_1121 {dimension_numbers = #tpu.dot_dimension_numbers<[1], [0], [0], [1], [0, 0, 1, 1], [], []>, transpose_lhs_hint = false} : vector<16x16xf32>, vector<16x128xf32>, vector<16x128xf32> -> vector<16x128xf32>
    %add3A_1123 = arith.addf %add3A_1113, %dot_general3A_1122 : vector<16x128xf32>
    %slice3A_1124 = vector.extract_strided_slice %reshape3A_1064 {offsets = [6, 0, 0], sizes = [1, 16, 16], strides = [1, 1, 1]} : vector<8x16x16xf32> to vector<1x16x16xf32>
    %squeeze3A_1125 = vector.shape_cast %slice3A_1124 : vector<1x16x16xf32> to vector<16x16xf32>
    %get3A_1126 = arith.constant 6 : index
    %get3A_1127 = arith.constant 0 : index
    %get3A_1128 = arith.constant 0 : index
    %get3A_1129 = vector.load %arg2[%get3A_1126, %get3A_1127, %get3A_1128] : memref<8x16x128xf32, #tpu.memory_space<vmem>>, vector<1x16x128xf32>
    %get3A_1130 = vector.shape_cast %get3A_1129 : vector<1x16x128xf32> to vector<16x128xf32>
    %dot_general3A_1131 = arith.constant dense<0.000000e+00> : vector<16x128xf32>
    %dot_general3A_1132 = tpu.matmul %squeeze3A_1125, %get3A_1130, %dot_general3A_1131 {dimension_numbers = #tpu.dot_dimension_numbers<[1], [0], [0], [1], [0, 0, 1, 1], [], []>, transpose_lhs_hint = false} : vector<16x16xf32>, vector<16x128xf32>, vector<16x128xf32> -> vector<16x128xf32>
    %add3A_1133 = arith.addf %add3A_1123, %dot_general3A_1132 : vector<16x128xf32>
    %slice3A_1134 = vector.extract_strided_slice %reshape3A_1064 {offsets = [7, 0, 0], sizes = [1, 16, 16], strides = [1, 1, 1]} : vector<8x16x16xf32> to vector<1x16x16xf32>
    %squeeze3A_1135 = vector.shape_cast %slice3A_1134 : vector<1x16x16xf32> to vector<16x16xf32>
    %get3A_1136 = arith.constant 7 : index
    %get3A_1137 = arith.constant 0 : index
    %get3A_1138 = arith.constant 0 : index
    %get3A_1139 = vector.load %arg2[%get3A_1136, %get3A_1137, %get3A_1138] : memref<8x16x128xf32, #tpu.memory_space<vmem>>, vector<1x16x128xf32>
    %get3A_1140 = vector.shape_cast %get3A_1139 : vector<1x16x128xf32> to vector<16x128xf32>
    %dot_general3A_1141 = arith.constant dense<0.000000e+00> : vector<16x128xf32>
    %dot_general3A_1142 = tpu.matmul %squeeze3A_1135, %get3A_1140, %dot_general3A_1141 {dimension_numbers = #tpu.dot_dimension_numbers<[1], [0], [0], [1], [0, 0, 1, 1], [], []>, transpose_lhs_hint = false} : vector<16x16xf32>, vector<16x128xf32>, vector<16x128xf32> -> vector<16x128xf32>
    %add3A_1143 = arith.addf %add3A_1133, %dot_general3A_1142 : vector<16x128xf32>
    %reshape3A_1144 = vector.shape_cast %add3A_1143 : vector<16x128xf32> to vector<2x8x128xf32>
    %swap3A_1145 = arith.constant 0 : index
    %swap3A_1146 = arith.constant 96 : index
    %swap3A_1147 = arith.constant 0 : index
    %swap3A_1148 = vector.load %arg3[%swap3A_1145, %swap3A_1146, %swap3A_1147] : memref<2x128x128xf32, #tpu.memory_space<vmem>>, vector<2x8x128xf32>
    tpu.vector_store %arg3[%swap3A_1145, %swap3A_1146, %swap3A_1147], %reshape3A_1144 {strides = array<i32>} : memref<2x128x128xf32, #tpu.memory_space<vmem>>, vector<2x8x128xf32>,
    %get3A_1149 = arith.constant 208 : index
    %get3A_1150 = arith.constant 0 : index
    %get3A_1151 = vector.load %arg1[%get3A_1149, %get3A_1150] : memref<256x128xf32, #tpu.memory_space<vmem>>, vector<16x128xf32>
    %transpose3A_1152 = tpu.transpose %get3A_1151, [1, 0] : vector<16x128xf32> -> vector<128x16xf32>
    %reshape3A_1153 = vector.shape_cast %transpose3A_1152 : vector<128x16xf32> to vector<8x16x16xf32>
    %slice3A_1154 = vector.extract_strided_slice %reshape3A_1153 {offsets = [0, 0, 0], sizes = [1, 16, 16], strides = [1, 1, 1]} : vector<8x16x16xf32> to vector<1x16x16xf32>
    %squeeze3A_1155 = vector.shape_cast %slice3A_1154 : vector<1x16x16xf32> to vector<16x16xf32>
    %get3A_1156 = arith.constant 0 : index
    %get3A_1157 = arith.constant 0 : index
    %get3A_1158 = arith.constant 0 : index
    %get3A_1159 = vector.load %arg2[%get3A_1156, %get3A_1157, %get3A_1158] : memref<8x16x128xf32, #tpu.memory_space<vmem>>, vector<1x16x128xf32>
    %get3A_1160 = vector.shape_cast %get3A_1159 : vector<1x16x128xf32> to vector<16x128xf32>
    %dot_general3A_1161 = arith.constant dense<0.000000e+00> : vector<16x128xf32>
    %dot_general3A_1162 = tpu.matmul %squeeze3A_1155, %get3A_1160, %dot_general3A_1161 {dimension_numbers = #tpu.dot_dimension_numbers<[1], [0], [0], [1], [0, 0, 1, 1], [], []>, transpose_lhs_hint = false} : vector<16x16xf32>, vector<16x128xf32>, vector<16x128xf32> -> vector<16x128xf32>
    %slice3A_1163 = vector.extract_strided_slice %reshape3A_1153 {offsets = [1, 0, 0], sizes = [1, 16, 16], strides = [1, 1, 1]} : vector<8x16x16xf32> to vector<1x16x16xf32>
    %squeeze3A_1164 = vector.shape_cast %slice3A_1163 : vector<1x16x16xf32> to vector<16x16xf32>
    %get3A_1165 = arith.constant 1 : index
    %get3A_1166 = arith.constant 0 : index
    %get3A_1167 = arith.constant 0 : index
    %get3A_1168 = vector.load %arg2[%get3A_1165, %get3A_1166, %get3A_1167] : memref<8x16x128xf32, #tpu.memory_space<vmem>>, vector<1x16x128xf32>
    %get3A_1169 = vector.shape_cast %get3A_1168 : vector<1x16x128xf32> to vector<16x128xf32>
    %dot_general3A_1170 = arith.constant dense<0.000000e+00> : vector<16x128xf32>
    %dot_general3A_1171 = tpu.matmul %squeeze3A_1164, %get3A_1169, %dot_general3A_1170 {dimension_numbers = #tpu.dot_dimension_numbers<[1], [0], [0], [1], [0, 0, 1, 1], [], []>, transpose_lhs_hint = false} : vector<16x16xf32>, vector<16x128xf32>, vector<16x128xf32> -> vector<16x128xf32>
    %add3A_1172 = arith.addf %dot_general3A_1162, %dot_general3A_1171 : vector<16x128xf32>
    %slice3A_1173 = vector.extract_strided_slice %reshape3A_1153 {offsets = [2, 0, 0], sizes = [1, 16, 16], strides = [1, 1, 1]} : vector<8x16x16xf32> to vector<1x16x16xf32>
    %squeeze3A_1174 = vector.shape_cast %slice3A_1173 : vector<1x16x16xf32> to vector<16x16xf32>
    %get3A_1175 = arith.constant 2 : index
    %get3A_1176 = arith.constant 0 : index
    %get3A_1177 = arith.constant 0 : index
    %get3A_1178 = vector.load %arg2[%get3A_1175, %get3A_1176, %get3A_1177] : memref<8x16x128xf32, #tpu.memory_space<vmem>>, vector<1x16x128xf32>
    %get3A_1179 = vector.shape_cast %get3A_1178 : vector<1x16x128xf32> to vector<16x128xf32>
    %dot_general3A_1180 = arith.constant dense<0.000000e+00> : vector<16x128xf32>
    %dot_general3A_1181 = tpu.matmul %squeeze3A_1174, %get3A_1179, %dot_general3A_1180 {dimension_numbers = #tpu.dot_dimension_numbers<[1], [0], [0], [1], [0, 0, 1, 1], [], []>, transpose_lhs_hint = false} : vector<16x16xf32>, vector<16x128xf32>, vector<16x128xf32> -> vector<16x128xf32>
    %add3A_1182 = arith.addf %add3A_1172, %dot_general3A_1181 : vector<16x128xf32>
    %slice3A_1183 = vector.extract_strided_slice %reshape3A_1153 {offsets = [3, 0, 0], sizes = [1, 16, 16], strides = [1, 1, 1]} : vector<8x16x16xf32> to vector<1x16x16xf32>
    %squeeze3A_1184 = vector.shape_cast %slice3A_1183 : vector<1x16x16xf32> to vector<16x16xf32>
    %get3A_1185 = arith.constant 3 : index
    %get3A_1186 = arith.constant 0 : index
    %get3A_1187 = arith.constant 0 : index
    %get3A_1188 = vector.load %arg2[%get3A_1185, %get3A_1186, %get3A_1187] : memref<8x16x128xf32, #tpu.memory_space<vmem>>, vector<1x16x128xf32>
    %get3A_1189 = vector.shape_cast %get3A_1188 : vector<1x16x128xf32> to vector<16x128xf32>
    %dot_general3A_1190 = arith.constant dense<0.000000e+00> : vector<16x128xf32>
    %dot_general3A_1191 = tpu.matmul %squeeze3A_1184, %get3A_1189, %dot_general3A_1190 {dimension_numbers = #tpu.dot_dimension_numbers<[1], [0], [0], [1], [0, 0, 1, 1], [], []>, transpose_lhs_hint = false} : vector<16x16xf32>, vector<16x128xf32>, vector<16x128xf32> -> vector<16x128xf32>
    %add3A_1192 = arith.addf %add3A_1182, %dot_general3A_1191 : vector<16x128xf32>
    %slice3A_1193 = vector.extract_strided_slice %reshape3A_1153 {offsets = [4, 0, 0], sizes = [1, 16, 16], strides = [1, 1, 1]} : vector<8x16x16xf32> to vector<1x16x16xf32>
    %squeeze3A_1194 = vector.shape_cast %slice3A_1193 : vector<1x16x16xf32> to vector<16x16xf32>
    %get3A_1195 = arith.constant 4 : index
    %get3A_1196 = arith.constant 0 : index
    %get3A_1197 = arith.constant 0 : index
    %get3A_1198 = vector.load %arg2[%get3A_1195, %get3A_1196, %get3A_1197] : memref<8x16x128xf32, #tpu.memory_space<vmem>>, vector<1x16x128xf32>
    %get3A_1199 = vector.shape_cast %get3A_1198 : vector<1x16x128xf32> to vector<16x128xf32>
    %dot_general3A_1200 = arith.constant dense<0.000000e+00> : vector<16x128xf32>
    %dot_general3A_1201 = tpu.matmul %squeeze3A_1194, %get3A_1199, %dot_general3A_1200 {dimension_numbers = #tpu.dot_dimension_numbers<[1], [0], [0], [1], [0, 0, 1, 1], [], []>, transpose_lhs_hint = false} : vector<16x16xf32>, vector<16x128xf32>, vector<16x128xf32> -> vector<16x128xf32>
    %add3A_1202 = arith.addf %add3A_1192, %dot_general3A_1201 : vector<16x128xf32>
    %slice3A_1203 = vector.extract_strided_slice %reshape3A_1153 {offsets = [5, 0, 0], sizes = [1, 16, 16], strides = [1, 1, 1]} : vector<8x16x16xf32> to vector<1x16x16xf32>
    %squeeze3A_1204 = vector.shape_cast %slice3A_1203 : vector<1x16x16xf32> to vector<16x16xf32>
    %get3A_1205 = arith.constant 5 : index
    %get3A_1206 = arith.constant 0 : index
    %get3A_1207 = arith.constant 0 : index
    %get3A_1208 = vector.load %arg2[%get3A_1205, %get3A_1206, %get3A_1207] : memref<8x16x128xf32, #tpu.memory_space<vmem>>, vector<1x16x128xf32>
    %get3A_1209 = vector.shape_cast %get3A_1208 : vector<1x16x128xf32> to vector<16x128xf32>
    %dot_general3A_1210 = arith.constant dense<0.000000e+00> : vector<16x128xf32>
    %dot_general3A_1211 = tpu.matmul %squeeze3A_1204, %get3A_1209, %dot_general3A_1210 {dimension_numbers = #tpu.dot_dimension_numbers<[1], [0], [0], [1], [0, 0, 1, 1], [], []>, transpose_lhs_hint = false} : vector<16x16xf32>, vector<16x128xf32>, vector<16x128xf32> -> vector<16x128xf32>
    %add3A_1212 = arith.addf %add3A_1202, %dot_general3A_1211 : vector<16x128xf32>
    %slice3A_1213 = vector.extract_strided_slice %reshape3A_1153 {offsets = [6, 0, 0], sizes = [1, 16, 16], strides = [1, 1, 1]} : vector<8x16x16xf32> to vector<1x16x16xf32>
    %squeeze3A_1214 = vector.shape_cast %slice3A_1213 : vector<1x16x16xf32> to vector<16x16xf32>
    %get3A_1215 = arith.constant 6 : index
    %get3A_1216 = arith.constant 0 : index
    %get3A_1217 = arith.constant 0 : index
    %get3A_1218 = vector.load %arg2[%get3A_1215, %get3A_1216, %get3A_1217] : memref<8x16x128xf32, #tpu.memory_space<vmem>>, vector<1x16x128xf32>
    %get3A_1219 = vector.shape_cast %get3A_1218 : vector<1x16x128xf32> to vector<16x128xf32>
    %dot_general3A_1220 = arith.constant dense<0.000000e+00> : vector<16x128xf32>
    %dot_general3A_1221 = tpu.matmul %squeeze3A_1214, %get3A_1219, %dot_general3A_1220 {dimension_numbers = #tpu.dot_dimension_numbers<[1], [0], [0], [1], [0, 0, 1, 1], [], []>, transpose_lhs_hint = false} : vector<16x16xf32>, vector<16x128xf32>, vector<16x128xf32> -> vector<16x128xf32>
    %add3A_1222 = arith.addf %add3A_1212, %dot_general3A_1221 : vector<16x128xf32>
    %slice3A_1223 = vector.extract_strided_slice %reshape3A_1153 {offsets = [7, 0, 0], sizes = [1, 16, 16], strides = [1, 1, 1]} : vector<8x16x16xf32> to vector<1x16x16xf32>
    %squeeze3A_1224 = vector.shape_cast %slice3A_1223 : vector<1x16x16xf32> to vector<16x16xf32>
    %get3A_1225 = arith.constant 7 : index
    %get3A_1226 = arith.constant 0 : index
    %get3A_1227 = arith.constant 0 : index
    %get3A_1228 = vector.load %arg2[%get3A_1225, %get3A_1226, %get3A_1227] : memref<8x16x128xf32, #tpu.memory_space<vmem>>, vector<1x16x128xf32>
    %get3A_1229 = vector.shape_cast %get3A_1228 : vector<1x16x128xf32> to vector<16x128xf32>
    %dot_general3A_1230 = arith.constant dense<0.000000e+00> : vector<16x128xf32>
    %dot_general3A_1231 = tpu.matmul %squeeze3A_1224, %get3A_1229, %dot_general3A_1230 {dimension_numbers = #tpu.dot_dimension_numbers<[1], [0], [0], [1], [0, 0, 1, 1], [], []>, transpose_lhs_hint = false} : vector<16x16xf32>, vector<16x128xf32>, vector<16x128xf32> -> vector<16x128xf32>
    %add3A_1232 = arith.addf %add3A_1222, %dot_general3A_1231 : vector<16x128xf32>
    %reshape3A_1233 = vector.shape_cast %add3A_1232 : vector<16x128xf32> to vector<2x8x128xf32>
    %swap3A_1234 = arith.constant 0 : index
    %swap3A_1235 = arith.constant 104 : index
    %swap3A_1236 = arith.constant 0 : index
    %swap3A_1237 = vector.load %arg3[%swap3A_1234, %swap3A_1235, %swap3A_1236] : memref<2x128x128xf32, #tpu.memory_space<vmem>>, vector<2x8x128xf32>
    tpu.vector_store %arg3[%swap3A_1234, %swap3A_1235, %swap3A_1236], %reshape3A_1233 {strides = array<i32>} : memref<2x128x128xf32, #tpu.memory_space<vmem>>, vector<2x8x128xf32>,
    %get3A_1238 = arith.constant 224 : index
    %get3A_1239 = arith.constant 0 : index
    %get3A_1240 = vector.load %arg1[%get3A_1238, %get3A_1239] : memref<256x128xf32, #tpu.memory_space<vmem>>, vector<16x128xf32>
    %transpose3A_1241 = tpu.transpose %get3A_1240, [1, 0] : vector<16x128xf32> -> vector<128x16xf32>
    %reshape3A_1242 = vector.shape_cast %transpose3A_1241 : vector<128x16xf32> to vector<8x16x16xf32>
    %slice3A_1243 = vector.extract_strided_slice %reshape3A_1242 {offsets = [0, 0, 0], sizes = [1, 16, 16], strides = [1, 1, 1]} : vector<8x16x16xf32> to vector<1x16x16xf32>
    %squeeze3A_1244 = vector.shape_cast %slice3A_1243 : vector<1x16x16xf32> to vector<16x16xf32>
    %get3A_1245 = arith.constant 0 : index
    %get3A_1246 = arith.constant 0 : index
    %get3A_1247 = arith.constant 0 : index
    %get3A_1248 = vector.load %arg2[%get3A_1245, %get3A_1246, %get3A_1247] : memref<8x16x128xf32, #tpu.memory_space<vmem>>, vector<1x16x128xf32>
    %get3A_1249 = vector.shape_cast %get3A_1248 : vector<1x16x128xf32> to vector<16x128xf32>
    %dot_general3A_1250 = arith.constant dense<0.000000e+00> : vector<16x128xf32>
    %dot_general3A_1251 = tpu.matmul %squeeze3A_1244, %get3A_1249, %dot_general3A_1250 {dimension_numbers = #tpu.dot_dimension_numbers<[1], [0], [0], [1], [0, 0, 1, 1], [], []>, transpose_lhs_hint = false} : vector<16x16xf32>, vector<16x128xf32>, vector<16x128xf32> -> vector<16x128xf32>
    %slice3A_1252 = vector.extract_strided_slice %reshape3A_1242 {offsets = [1, 0, 0], sizes = [1, 16, 16], strides = [1, 1, 1]} : vector<8x16x16xf32> to vector<1x16x16xf32>
    %squeeze3A_1253 = vector.shape_cast %slice3A_1252 : vector<1x16x16xf32> to vector<16x16xf32>
    %get3A_1254 = arith.constant 1 : index
    %get3A_1255 = arith.constant 0 : index
    %get3A_1256 = arith.constant 0 : index
    %get3A_1257 = vector.load %arg2[%get3A_1254, %get3A_1255, %get3A_1256] : memref<8x16x128xf32, #tpu.memory_space<vmem>>, vector<1x16x128xf32>
    %get3A_1258 = vector.shape_cast %get3A_1257 : vector<1x16x128xf32> to vector<16x128xf32>
    %dot_general3A_1259 = arith.constant dense<0.000000e+00> : vector<16x128xf32>
    %dot_general3A_1260 = tpu.matmul %squeeze3A_1253, %get3A_1258, %dot_general3A_1259 {dimension_numbers = #tpu.dot_dimension_numbers<[1], [0], [0], [1], [0, 0, 1, 1], [], []>, transpose_lhs_hint = false} : vector<16x16xf32>, vector<16x128xf32>, vector<16x128xf32> -> vector<16x128xf32>
    %add3A_1261 = arith.addf %dot_general3A_1251, %dot_general3A_1260 : vector<16x128xf32>
    %slice3A_1262 = vector.extract_strided_slice %reshape3A_1242 {offsets = [2, 0, 0], sizes = [1, 16, 16], strides = [1, 1, 1]} : vector<8x16x16xf32> to vector<1x16x16xf32>
    %squeeze3A_1263 = vector.shape_cast %slice3A_1262 : vector<1x16x16xf32> to vector<16x16xf32>
    %get3A_1264 = arith.constant 2 : index
    %get3A_1265 = arith.constant 0 : index
    %get3A_1266 = arith.constant 0 : index
    %get3A_1267 = vector.load %arg2[%get3A_1264, %get3A_1265, %get3A_1266] : memref<8x16x128xf32, #tpu.memory_space<vmem>>, vector<1x16x128xf32>
    %get3A_1268 = vector.shape_cast %get3A_1267 : vector<1x16x128xf32> to vector<16x128xf32>
    %dot_general3A_1269 = arith.constant dense<0.000000e+00> : vector<16x128xf32>
    %dot_general3A_1270 = tpu.matmul %squeeze3A_1263, %get3A_1268, %dot_general3A_1269 {dimension_numbers = #tpu.dot_dimension_numbers<[1], [0], [0], [1], [0, 0, 1, 1], [], []>, transpose_lhs_hint = false} : vector<16x16xf32>, vector<16x128xf32>, vector<16x128xf32> -> vector<16x128xf32>
    %add3A_1271 = arith.addf %add3A_1261, %dot_general3A_1270 : vector<16x128xf32>
    %slice3A_1272 = vector.extract_strided_slice %reshape3A_1242 {offsets = [3, 0, 0], sizes = [1, 16, 16], strides = [1, 1, 1]} : vector<8x16x16xf32> to vector<1x16x16xf32>
    %squeeze3A_1273 = vector.shape_cast %slice3A_1272 : vector<1x16x16xf32> to vector<16x16xf32>
    %get3A_1274 = arith.constant 3 : index
    %get3A_1275 = arith.constant 0 : index
    %get3A_1276 = arith.constant 0 : index
    %get3A_1277 = vector.load %arg2[%get3A_1274, %get3A_1275, %get3A_1276] : memref<8x16x128xf32, #tpu.memory_space<vmem>>, vector<1x16x128xf32>
    %get3A_1278 = vector.shape_cast %get3A_1277 : vector<1x16x128xf32> to vector<16x128xf32>
    %dot_general3A_1279 = arith.constant dense<0.000000e+00> : vector<16x128xf32>
    %dot_general3A_1280 = tpu.matmul %squeeze3A_1273, %get3A_1278, %dot_general3A_1279 {dimension_numbers = #tpu.dot_dimension_numbers<[1], [0], [0], [1], [0, 0, 1, 1], [], []>, transpose_lhs_hint = false} : vector<16x16xf32>, vector<16x128xf32>, vector<16x128xf32> -> vector<16x128xf32>
    %add3A_1281 = arith.addf %add3A_1271, %dot_general3A_1280 : vector<16x128xf32>
    %slice3A_1282 = vector.extract_strided_slice %reshape3A_1242 {offsets = [4, 0, 0], sizes = [1, 16, 16], strides = [1, 1, 1]} : vector<8x16x16xf32> to vector<1x16x16xf32>
    %squeeze3A_1283 = vector.shape_cast %slice3A_1282 : vector<1x16x16xf32> to vector<16x16xf32>
    %get3A_1284 = arith.constant 4 : index
    %get3A_1285 = arith.constant 0 : index
    %get3A_1286 = arith.constant 0 : index
    %get3A_1287 = vector.load %arg2[%get3A_1284, %get3A_1285, %get3A_1286] : memref<8x16x128xf32, #tpu.memory_space<vmem>>, vector<1x16x128xf32>
    %get3A_1288 = vector.shape_cast %get3A_1287 : vector<1x16x128xf32> to vector<16x128xf32>
    %dot_general3A_1289 = arith.constant dense<0.000000e+00> : vector<16x128xf32>
    %dot_general3A_1290 = tpu.matmul %squeeze3A_1283, %get3A_1288, %dot_general3A_1289 {dimension_numbers = #tpu.dot_dimension_numbers<[1], [0], [0], [1], [0, 0, 1, 1], [], []>, transpose_lhs_hint = false} : vector<16x16xf32>, vector<16x128xf32>, vector<16x128xf32> -> vector<16x128xf32>
    %add3A_1291 = arith.addf %add3A_1281, %dot_general3A_1290 : vector<16x128xf32>
    %slice3A_1292 = vector.extract_strided_slice %reshape3A_1242 {offsets = [5, 0, 0], sizes = [1, 16, 16], strides = [1, 1, 1]} : vector<8x16x16xf32> to vector<1x16x16xf32>
    %squeeze3A_1293 = vector.shape_cast %slice3A_1292 : vector<1x16x16xf32> to vector<16x16xf32>
    %get3A_1294 = arith.constant 5 : index
    %get3A_1295 = arith.constant 0 : index
    %get3A_1296 = arith.constant 0 : index
    %get3A_1297 = vector.load %arg2[%get3A_1294, %get3A_1295, %get3A_1296] : memref<8x16x128xf32, #tpu.memory_space<vmem>>, vector<1x16x128xf32>
    %get3A_1298 = vector.shape_cast %get3A_1297 : vector<1x16x128xf32> to vector<16x128xf32>
    %dot_general3A_1299 = arith.constant dense<0.000000e+00> : vector<16x128xf32>
    %dot_general3A_1300 = tpu.matmul %squeeze3A_1293, %get3A_1298, %dot_general3A_1299 {dimension_numbers = #tpu.dot_dimension_numbers<[1], [0], [0], [1], [0, 0, 1, 1], [], []>, transpose_lhs_hint = false} : vector<16x16xf32>, vector<16x128xf32>, vector<16x128xf32> -> vector<16x128xf32>
    %add3A_1301 = arith.addf %add3A_1291, %dot_general3A_1300 : vector<16x128xf32>
    %slice3A_1302 = vector.extract_strided_slice %reshape3A_1242 {offsets = [6, 0, 0], sizes = [1, 16, 16], strides = [1, 1, 1]} : vector<8x16x16xf32> to vector<1x16x16xf32>
    %squeeze3A_1303 = vector.shape_cast %slice3A_1302 : vector<1x16x16xf32> to vector<16x16xf32>
    %get3A_1304 = arith.constant 6 : index
    %get3A_1305 = arith.constant 0 : index
    %get3A_1306 = arith.constant 0 : index
    %get3A_1307 = vector.load %arg2[%get3A_1304, %get3A_1305, %get3A_1306] : memref<8x16x128xf32, #tpu.memory_space<vmem>>, vector<1x16x128xf32>
    %get3A_1308 = vector.shape_cast %get3A_1307 : vector<1x16x128xf32> to vector<16x128xf32>
    %dot_general3A_1309 = arith.constant dense<0.000000e+00> : vector<16x128xf32>
    %dot_general3A_1310 = tpu.matmul %squeeze3A_1303, %get3A_1308, %dot_general3A_1309 {dimension_numbers = #tpu.dot_dimension_numbers<[1], [0], [0], [1], [0, 0, 1, 1], [], []>, transpose_lhs_hint = false} : vector<16x16xf32>, vector<16x128xf32>, vector<16x128xf32> -> vector<16x128xf32>
    %add3A_1311 = arith.addf %add3A_1301, %dot_general3A_1310 : vector<16x128xf32>
    %slice3A_1312 = vector.extract_strided_slice %reshape3A_1242 {offsets = [7, 0, 0], sizes = [1, 16, 16], strides = [1, 1, 1]} : vector<8x16x16xf32> to vector<1x16x16xf32>
    %squeeze3A_1313 = vector.shape_cast %slice3A_1312 : vector<1x16x16xf32> to vector<16x16xf32>
    %get3A_1314 = arith.constant 7 : index
    %get3A_1315 = arith.constant 0 : index
    %get3A_1316 = arith.constant 0 : index
    %get3A_1317 = vector.load %arg2[%get3A_1314, %get3A_1315, %get3A_1316] : memref<8x16x128xf32, #tpu.memory_space<vmem>>, vector<1x16x128xf32>
    %get3A_1318 = vector.shape_cast %get3A_1317 : vector<1x16x128xf32> to vector<16x128xf32>
    %dot_general3A_1319 = arith.constant dense<0.000000e+00> : vector<16x128xf32>
    %dot_general3A_1320 = tpu.matmul %squeeze3A_1313, %get3A_1318, %dot_general3A_1319 {dimension_numbers = #tpu.dot_dimension_numbers<[1], [0], [0], [1], [0, 0, 1, 1], [], []>, transpose_lhs_hint = false} : vector<16x16xf32>, vector<16x128xf32>, vector<16x128xf32> -> vector<16x128xf32>
    %add3A_1321 = arith.addf %add3A_1311, %dot_general3A_1320 : vector<16x128xf32>
    %reshape3A_1322 = vector.shape_cast %add3A_1321 : vector<16x128xf32> to vector<2x8x128xf32>
    %swap3A_1323 = arith.constant 0 : index
    %swap3A_1324 = arith.constant 112 : index
    %swap3A_1325 = arith.constant 0 : index
    %swap3A_1326 = vector.load %arg3[%swap3A_1323, %swap3A_1324, %swap3A_1325] : memref<2x128x128xf32, #tpu.memory_space<vmem>>, vector<2x8x128xf32>
    tpu.vector_store %arg3[%swap3A_1323, %swap3A_1324, %swap3A_1325], %reshape3A_1322 {strides = array<i32>} : memref<2x128x128xf32, #tpu.memory_space<vmem>>, vector<2x8x128xf32>,
    %get3A_1327 = arith.constant 240 : index
    %get3A_1328 = arith.constant 0 : index
    %get3A_1329 = vector.load %arg1[%get3A_1327, %get3A_1328] : memref<256x128xf32, #tpu.memory_space<vmem>>, vector<16x128xf32>
    %transpose3A_1330 = tpu.transpose %get3A_1329, [1, 0] : vector<16x128xf32> -> vector<128x16xf32>
    %reshape3A_1331 = vector.shape_cast %transpose3A_1330 : vector<128x16xf32> to vector<8x16x16xf32>
    %slice3A_1332 = vector.extract_strided_slice %reshape3A_1331 {offsets = [0, 0, 0], sizes = [1, 16, 16], strides = [1, 1, 1]} : vector<8x16x16xf32> to vector<1x16x16xf32>
    %squeeze3A_1333 = vector.shape_cast %slice3A_1332 : vector<1x16x16xf32> to vector<16x16xf32>
    %get3A_1334 = arith.constant 0 : index
    %get3A_1335 = arith.constant 0 : index
    %get3A_1336 = arith.constant 0 : index
    %get3A_1337 = vector.load %arg2[%get3A_1334, %get3A_1335, %get3A_1336] : memref<8x16x128xf32, #tpu.memory_space<vmem>>, vector<1x16x128xf32>
    %get3A_1338 = vector.shape_cast %get3A_1337 : vector<1x16x128xf32> to vector<16x128xf32>
    %dot_general3A_1339 = arith.constant dense<0.000000e+00> : vector<16x128xf32>
    %dot_general3A_1340 = tpu.matmul %squeeze3A_1333, %get3A_1338, %dot_general3A_1339 {dimension_numbers = #tpu.dot_dimension_numbers<[1], [0], [0], [1], [0, 0, 1, 1], [], []>, transpose_lhs_hint = false} : vector<16x16xf32>, vector<16x128xf32>, vector<16x128xf32> -> vector<16x128xf32>
    %slice3A_1341 = vector.extract_strided_slice %reshape3A_1331 {offsets = [1, 0, 0], sizes = [1, 16, 16], strides = [1, 1, 1]} : vector<8x16x16xf32> to vector<1x16x16xf32>
    %squeeze3A_1342 = vector.shape_cast %slice3A_1341 : vector<1x16x16xf32> to vector<16x16xf32>
    %get3A_1343 = arith.constant 1 : index
    %get3A_1344 = arith.constant 0 : index
    %get3A_1345 = arith.constant 0 : index
    %get3A_1346 = vector.load %arg2[%get3A_1343, %get3A_1344, %get3A_1345] : memref<8x16x128xf32, #tpu.memory_space<vmem>>, vector<1x16x128xf32>
    %get3A_1347 = vector.shape_cast %get3A_1346 : vector<1x16x128xf32> to vector<16x128xf32>
    %dot_general3A_1348 = arith.constant dense<0.000000e+00> : vector<16x128xf32>
    %dot_general3A_1349 = tpu.matmul %squeeze3A_1342, %get3A_1347, %dot_general3A_1348 {dimension_numbers = #tpu.dot_dimension_numbers<[1], [0], [0], [1], [0, 0, 1, 1], [], []>, transpose_lhs_hint = false} : vector<16x16xf32>, vector<16x128xf32>, vector<16x128xf32> -> vector<16x128xf32>
    %add3A_1350 = arith.addf %dot_general3A_1340, %dot_general3A_1349 : vector<16x128xf32>
    %slice3A_1351 = vector.extract_strided_slice %reshape3A_1331 {offsets = [2, 0, 0], sizes = [1, 16, 16], strides = [1, 1, 1]} : vector<8x16x16xf32> to vector<1x16x16xf32>
    %squeeze3A_1352 = vector.shape_cast %slice3A_1351 : vector<1x16x16xf32> to vector<16x16xf32>
    %get3A_1353 = arith.constant 2 : index
    %get3A_1354 = arith.constant 0 : index
    %get3A_1355 = arith.constant 0 : index
    %get3A_1356 = vector.load %arg2[%get3A_1353, %get3A_1354, %get3A_1355] : memref<8x16x128xf32, #tpu.memory_space<vmem>>, vector<1x16x128xf32>
    %get3A_1357 = vector.shape_cast %get3A_1356 : vector<1x16x128xf32> to vector<16x128xf32>
    %dot_general3A_1358 = arith.constant dense<0.000000e+00> : vector<16x128xf32>
    %dot_general3A_1359 = tpu.matmul %squeeze3A_1352, %get3A_1357, %dot_general3A_1358 {dimension_numbers = #tpu.dot_dimension_numbers<[1], [0], [0], [1], [0, 0, 1, 1], [], []>, transpose_lhs_hint = false} : vector<16x16xf32>, vector<16x128xf32>, vector<16x128xf32> -> vector<16x128xf32>
    %add3A_1360 = arith.addf %add3A_1350, %dot_general3A_1359 : vector<16x128xf32>
    %slice3A_1361 = vector.extract_strided_slice %reshape3A_1331 {offsets = [3, 0, 0], sizes = [1, 16, 16], strides = [1, 1, 1]} : vector<8x16x16xf32> to vector<1x16x16xf32>
    %squeeze3A_1362 = vector.shape_cast %slice3A_1361 : vector<1x16x16xf32> to vector<16x16xf32>
    %get3A_1363 = arith.constant 3 : index
    %get3A_1364 = arith.constant 0 : index
    %get3A_1365 = arith.constant 0 : index
    %get3A_1366 = vector.load %arg2[%get3A_1363, %get3A_1364, %get3A_1365] : memref<8x16x128xf32, #tpu.memory_space<vmem>>, vector<1x16x128xf32>
    %get3A_1367 = vector.shape_cast %get3A_1366 : vector<1x16x128xf32> to vector<16x128xf32>
    %dot_general3A_1368 = arith.constant dense<0.000000e+00> : vector<16x128xf32>
    %dot_general3A_1369 = tpu.matmul %squeeze3A_1362, %get3A_1367, %dot_general3A_1368 {dimension_numbers = #tpu.dot_dimension_numbers<[1], [0], [0], [1], [0, 0, 1, 1], [], []>, transpose_lhs_hint = false} : vector<16x16xf32>, vector<16x128xf32>, vector<16x128xf32> -> vector<16x128xf32>
    %add3A_1370 = arith.addf %add3A_1360, %dot_general3A_1369 : vector<16x128xf32>
    %slice3A_1371 = vector.extract_strided_slice %reshape3A_1331 {offsets = [4, 0, 0], sizes = [1, 16, 16], strides = [1, 1, 1]} : vector<8x16x16xf32> to vector<1x16x16xf32>
    %squeeze3A_1372 = vector.shape_cast %slice3A_1371 : vector<1x16x16xf32> to vector<16x16xf32>
    %get3A_1373 = arith.constant 4 : index
    %get3A_1374 = arith.constant 0 : index
    %get3A_1375 = arith.constant 0 : index
    %get3A_1376 = vector.load %arg2[%get3A_1373, %get3A_1374, %get3A_1375] : memref<8x16x128xf32, #tpu.memory_space<vmem>>, vector<1x16x128xf32>
    %get3A_1377 = vector.shape_cast %get3A_1376 : vector<1x16x128xf32> to vector<16x128xf32>
    %dot_general3A_1378 = arith.constant dense<0.000000e+00> : vector<16x128xf32>
    %dot_general3A_1379 = tpu.matmul %squeeze3A_1372, %get3A_1377, %dot_general3A_1378 {dimension_numbers = #tpu.dot_dimension_numbers<[1], [0], [0], [1], [0, 0, 1, 1], [], []>, transpose_lhs_hint = false} : vector<16x16xf32>, vector<16x128xf32>, vector<16x128xf32> -> vector<16x128xf32>
    %add3A_1380 = arith.addf %add3A_1370, %dot_general3A_1379 : vector<16x128xf32>
    %slice3A_1381 = vector.extract_strided_slice %reshape3A_1331 {offsets = [5, 0, 0], sizes = [1, 16, 16], strides = [1, 1, 1]} : vector<8x16x16xf32> to vector<1x16x16xf32>
    %squeeze3A_1382 = vector.shape_cast %slice3A_1381 : vector<1x16x16xf32> to vector<16x16xf32>
    %get3A_1383 = arith.constant 5 : index
    %get3A_1384 = arith.constant 0 : index
    %get3A_1385 = arith.constant 0 : index
    %get3A_1386 = vector.load %arg2[%get3A_1383, %get3A_1384, %get3A_1385] : memref<8x16x128xf32, #tpu.memory_space<vmem>>, vector<1x16x128xf32>
    %get3A_1387 = vector.shape_cast %get3A_1386 : vector<1x16x128xf32> to vector<16x128xf32>
    %dot_general3A_1388 = arith.constant dense<0.000000e+00> : vector<16x128xf32>
    %dot_general3A_1389 = tpu.matmul %squeeze3A_1382, %get3A_1387, %dot_general3A_1388 {dimension_numbers = #tpu.dot_dimension_numbers<[1], [0], [0], [1], [0, 0, 1, 1], [], []>, transpose_lhs_hint = false} : vector<16x16xf32>, vector<16x128xf32>, vector<16x128xf32> -> vector<16x128xf32>
    %add3A_1390 = arith.addf %add3A_1380, %dot_general3A_1389 : vector<16x128xf32>
    %slice3A_1391 = vector.extract_strided_slice %reshape3A_1331 {offsets = [6, 0, 0], sizes = [1, 16, 16], strides = [1, 1, 1]} : vector<8x16x16xf32> to vector<1x16x16xf32>
    %squeeze3A_1392 = vector.shape_cast %slice3A_1391 : vector<1x16x16xf32> to vector<16x16xf32>
    %get3A_1393 = arith.constant 6 : index
    %get3A_1394 = arith.constant 0 : index
    %get3A_1395 = arith.constant 0 : index
    %get3A_1396 = vector.load %arg2[%get3A_1393, %get3A_1394, %get3A_1395] : memref<8x16x128xf32, #tpu.memory_space<vmem>>, vector<1x16x128xf32>
    %get3A_1397 = vector.shape_cast %get3A_1396 : vector<1x16x128xf32> to vector<16x128xf32>
    %dot_general3A_1398 = arith.constant dense<0.000000e+00> : vector<16x128xf32>
    %dot_general3A_1399 = tpu.matmul %squeeze3A_1392, %get3A_1397, %dot_general3A_1398 {dimension_numbers = #tpu.dot_dimension_numbers<[1], [0], [0], [1], [0, 0, 1, 1], [], []>, transpose_lhs_hint = false} : vector<16x16xf32>, vector<16x128xf32>, vector<16x128xf32> -> vector<16x128xf32>
    %add3A_1400 = arith.addf %add3A_1390, %dot_general3A_1399 : vector<16x128xf32>
    %slice3A_1401 = vector.extract_strided_slice %reshape3A_1331 {offsets = [7, 0, 0], sizes = [1, 16, 16], strides = [1, 1, 1]} : vector<8x16x16xf32> to vector<1x16x16xf32>
    %squeeze3A_1402 = vector.shape_cast %slice3A_1401 : vector<1x16x16xf32> to vector<16x16xf32>
    %get3A_1403 = arith.constant 7 : index
    %get3A_1404 = arith.constant 0 : index
    %get3A_1405 = arith.constant 0 : index
    %get3A_1406 = vector.load %arg2[%get3A_1403, %get3A_1404, %get3A_1405] : memref<8x16x128xf32, #tpu.memory_space<vmem>>, vector<1x16x128xf32>
    %get3A_1407 = vector.shape_cast %get3A_1406 : vector<1x16x128xf32> to vector<16x128xf32>
    %dot_general3A_1408 = arith.constant dense<0.000000e+00> : vector<16x128xf32>
    %dot_general3A_1409 = tpu.matmul %squeeze3A_1402, %get3A_1407, %dot_general3A_1408 {dimension_numbers = #tpu.dot_dimension_numbers<[1], [0], [0], [1], [0, 0, 1, 1], [], []>, transpose_lhs_hint = false} : vector<16x16xf32>, vector<16x128xf32>, vector<16x128xf32> -> vector<16x128xf32>
    %add3A_1410 = arith.addf %add3A_1400, %dot_general3A_1409 : vector<16x128xf32>
    %reshape3A_1411 = vector.shape_cast %add3A_1410 : vector<16x128xf32> to vector<2x8x128xf32>
    %swap3A_1412 = arith.constant 0 : index
    %swap3A_1413 = arith.constant 120 : index
    %swap3A_1414 = arith.constant 0 : index
    %swap3A_1415 = vector.load %arg3[%swap3A_1412, %swap3A_1413, %swap3A_1414] : memref<2x128x128xf32, #tpu.memory_space<vmem>>, vector<2x8x128xf32>
    tpu.vector_store %arg3[%swap3A_1412, %swap3A_1413, %swap3A_1414], %reshape3A_1411 {strides = array<i32>} : memref<2x128x128xf32, #tpu.memory_space<vmem>>, vector<2x8x128xf32>,
    return
  }
  func.func @transform_0(%arg0: i32) -> (i32, i32) {
    %c0_i32 = arith.constant 0 : i32
    %c0_i32_0 = arith.constant 0 : i32
    return %arg0, %c0_i32 : i32, i32
  }
  func.func @transform_1(%arg0: i32) -> (i32, i32, i32) {
    %c0_i32 = arith.constant 0 : i32
    %c0_i32_0 = arith.constant 0 : i32
    %c0_i32_1 = arith.constant 0 : i32
    %c0_i32_2 = arith.constant 0 : i32
    return %c0_i32, %c0_i32_0, %c0_i32_1 : i32, i32, i32
  }
  func.func @transform_2(%arg0: i32) -> (i32, i32, i32) {
    %c0_i32 = arith.constant 0 : i32
    %c0_i32_0 = arith.constant 0 : i32
    %c0_i32_1 = arith.constant 0 : i32
    return %c0_i32, %arg0, %c0_i32_0 : i32, i32, i32
  }
}

</mosaic_0001>

<sc_bundles>
// kernel: kernel.5.cloned.1.call-start
scs
__scs_entry_jumppad:
0x0: {  	(pc) =	sbr.rel $0x88, $3  }
0x1: {  	(tag) =	ssettag $0x0;
	lr =	simm.s32 $0x1  }
0x2: {  	[smem:$0x3F9F] =	sst lr;
	_ =	strace $0xD0000000  }
0x3: {  	_ = 	snop  }
0x4: {  	_ = 	snop  }
0x5: {  	_ = 	snop  }
0x6: {  	_ = 	snop  }
0x7: {  	_ = 	snop  }
__scs_overlays_trampoline_lowered:
0x8: {  	[smem:$0x3FAE] =	sst s0  }
0x9: {  	[smem:$0x3FAF] =	sst s1  }
0xa: {  	[smem:$0x3FB0] =	sst s2  }
0xb: {  	[smem:$0x3FB1] =	sst s3  }
0xc: {  	[smem:$0x3FB2] =	sst s4  }
0xd: {  	[smem:$0x3FB3] =	sst s5  }
0xe: {  	[smem:$0x3FB4] =	sst s6  }
0xf: {  	[smem:$0x3FB5] =	sst s7  }
0x10: {  	[smem:$0x3FB6] =	sst s8  }
0x11: {  	[smem:$0x3FB7] =	sst s9;
	s0 =	simm.s32 @!p0 $0x0  }
0x12: {  	s1 =	sld [smem:$0x3F9D];
	s0 =	simm.s32 @p0 $0x1  }
0x13: {  	[smem:$0x3FB8] =	sst s0;
	s0 =	simm.s32 @!p1 $0x0  }
0x14: {  	s2 =	sld [smem:$0x3F9C];
	s0 =	simm.s32 @p1 $0x1  }
0x15: {  	[smem:$0x3FB9] =	sst s0;
	s0 =	simm.s32 @!p2 $0x0  }
0x16: {  	s3 =	sld [smem:$0x3FDB];
	s0 =	simm.s32 @p2 $0x1  }
0x17: {  	s4 =	simm.s32 $0x1BF5;
	[smem:$0x3FBB] =	sst s0  }
0x18: {  	s0 =	sld [smem:$0x3F9E];
	_ =	swait.ge [sflag:s4], $0x0  }
0x19: {  	s7 =	sld [smem:$0x3F9F]  }
0x1a: {  	s8 =	sadd.s32 $0xFFFFE003, lr  }
0x1b: {  	s9 =	sadd.s32 $0xFFFFFEF7, lr;
	s5 =	simm.s32 $0xFFFFFFFF;
	p2 =	slt.u32 s8, $0xFFFFF086  }
0x1c: {  	p1 =	slt.u32 s9, $0xF7A;
	s5 =	simm.s32 @!p2 $0x0  }
0x1d: {  	s5 =	simm.s32 @p1 $0x1;
	p0 =	seq.s32 s7, s2  }
0x1e: {  	s7 =	smul.u32 @!p0 $0xF7A, s2;
	p2 =	seq.s32 @!p0 s5, $0x0  }
0x1f: {  	s9 =	smul.u32 $0xF7A, s1;
	s8 =	simm.s32 @!p0 $0x1BF5;
	p2 =	por !p2, p0  }
0x20: {  	[sflag:s8] =	ssyncset.s32 @!p0 $0xFFFFF086;
	s6 =	sadd.s32 @!p0 s3, s7;
	s7 =	simm.s32 @!p0 $0x108  }
0x21: {  	s3 =	sadd.s32 s3, s9;
	s6 =	sadd.s32 @!p0 $0x88, s6;
	s7 =	simm.s32 @p2 $0x1082  }
0x22: {  	[simem:s7], [sflag:s8] =	dma.local @!p0 [hbm:s6], $0xF7A  }
0x23: {  	s9 =	sor.u32 $0xD0000000, s2;
	s6 =	simm.s32 $0x108;
	_ =	swait.ge @!p0 [sflag:s8], $0x0  }
0x24: {  	s3 =	sadd.s32 $0x88, s3;
	s6 =	simm.s32 @!p1 $0x1082;
	[sflag:s4] =	ssyncset.s32 $0xFFFFF086  }
0x25: {  	[simem:s6], [sflag:s4] =	dma.local [hbm:s3], $0xF7A  }
0x26: {  	[smem:$0x3F9F] =	sst s1;
	(tag) =	ssettag s2;
	_ =	strace s9  }
0x27: {  	s1 =	sld [smem:$0x3FAF]  }
0x28: {  	s2 =	sld [smem:$0x3FB0]  }
0x29: {  	s4 =	sld [smem:$0x3FB2]  }
0x2a: {  	p0 =	seq.s32 s5, $0x0;
	s5 =	sld [smem:$0x3FB3]  }
0x2b: {  	s6 =	sld [smem:$0x3FB4]  }
0x2c: {  	s7 =	sld [smem:$0x3FB5]  }
0x2d: {  	s3 =	simm.s32 $0x108;
	s8 =	sld [smem:$0x3FB6]  }
0x2e: {  	s3 =	simm.s32 @!p0 $0x1082;
	s9 =	sld [smem:$0x3FB7]  }
0x2f: {  	lr =	sadd.s32 s0, s3;
	s0 =	sld [smem:$0x3FAE]  }
0x30: {  	s3 =	sld [smem:$0x3FB1]  }
0x31: {  	[smem:$0x3FBA] =	sst s10  }
0x32: {  	s10 =	sld [smem:$0x3FB8];
	_ =	sdelay $0x3  }
0x33: {  	p0 =	seq.s32 s10, $0x1;
	s10 =	sld [smem:$0x3FBA];
	_ =	sdelay $0x3  }
0x34: {  	[smem:$0x3FBA] =	sst s10  }
0x35: {  	s10 =	sld [smem:$0x3FB9];
	_ =	sdelay $0x3  }
0x36: {  	p1 =	seq.s32 s10, $0x1;
	s10 =	sld [smem:$0x3FBA];
	_ =	sdelay $0x3  }
0x37: {  	[smem:$0x3FBA] =	sst s10  }
0x38: {  	s10 =	sld [smem:$0x3FBB]  }
0x39: {  	_ = 	snop;
	(pc) =	sbr.ind lr, $3  }
0x3a: {  	_ = 	snop  }
0x3b: {  	_ = 	snop  }
0x3c: {  	p2 =	seq.s32 s10, $0x1;
	s10 =	sld [smem:$0x3FBA]  }
0x3d: {  	_ =	shalt  }
0x3e: {  	_ =	shalt  }
0x3f: {  	_ =	shalt  }
0x40: {  	_ =	shalt  }
0x41: {  	_ =	shalt  }
0x42: {  	_ =	shalt  }
0x43: {  	_ =	shalt  }
0x44: {  	_ =	shalt  }
0x45: {  	_ =	shalt  }
0x46: {  	_ =	shalt  }
0x47: {  	_ =	shalt  }
0x48: {  	_ =	shalt  }
0x49: {  	_ =	shalt  }
0x4a: {  	_ =	shalt  }
0x4b: {  	_ =	shalt  }
0x4c: {  	_ =	shalt  }
0x4d: {  	_ =	shalt  }
0x4e: {  	_ =	shalt  }
0x4f: {  	_ =	shalt  }
0x50: {  	_ =	shalt  }
0x51: {  	_ =	shalt  }
0x52: {  	_ =	shalt  }
0x53: {  	_ =	shalt  }
0x54: {  	_ =	shalt  }
0x55: {  	_ =	shalt  }
0x56: {  	_ =	shalt  }
0x57: {  	_ =	shalt  }
0x58: {  	_ =	shalt  }
0x59: {  	_ =	shalt  }
0x5a: {  	_ =	shalt  }
0x5b: {  	_ =	shalt  }
0x5c: {  	_ =	shalt  }
0x5d: {  	_ =	shalt  }
0x5e: {  	_ =	shalt  }
0x5f: {  	_ =	shalt  }
0x60: {  	_ =	shalt  }
0x61: {  	_ =	shalt  }
0x62: {  	_ =	shalt  }
0x63: {  	_ =	shalt  }
0x64: {  	_ =	shalt  }
0x65: {  	_ =	shalt  }
0x66: {  	_ =	shalt  }
0x67: {  	_ =	shalt  }
0x68: {  	_ =	shalt  }
0x69: {  	_ =	shalt  }
0x6a: {  	_ =	shalt  }
0x6b: {  	_ =	shalt  }
0x6c: {  	_ =	shalt  }
0x6d: {  	_ =	shalt  }
0x6e: {  	_ =	shalt  }
0x6f: {  	_ =	shalt  }
0x70: {  	_ =	shalt  }
0x71: {  	_ =	shalt  }
0x72: {  	_ =	shalt  }
0x73: {  	_ =	shalt  }
0x74: {  	_ =	shalt  }
0x75: {  	_ =	shalt  }
0x76: {  	_ =	shalt  }
0x77: {  	_ =	shalt  }
0x78: {  	_ =	shalt  }
0x79: {  	_ =	shalt  }
0x7a: {  	_ =	shalt  }
0x7b: {  	_ =	shalt  }
0x7c: {  	_ =	shalt  }
0x7d: {  	_ =	shalt  }
0x7e: {  	_ =	shalt  }
0x7f: {  	_ =	shalt  }
0x80: {  	_ =	shalt  }
0x81: {  	_ =	shalt  }
0x82: {  	_ =	shalt  }
0x83: {  	_ =	shalt  }
0x84: {  	_ =	shalt  }
0x85: {  	_ =	shalt  }
0x86: {  	_ =	shalt  }
0x87: {  	_ =	shalt  }
.Lfunc_end0:
.L_simem_size_0:
called_computation.1_lowered:
.L_overlay_start_0:
0x88: {  	s2 =	sld [smem:$0x3FD9]  }
0x89: {  	s3 =	sld [smem:$0x3FFE];
	_ =	sdelay $0x1  }
0x8a: {  	s1 =	srdreg.scid  }
0x8b: {  	s0 =	sand.u32 $0x1, s1  }
0x8c: {  	s17 =	sshll.u32 s0, $0xA;
	s2 =	sadd.s32 s3, s2  }
0x8d: {  	s2 =	sadd.s32 s2, s17  }
0x8e: {  	[smem:$0x3FC6] =	sst s2  }
0x8f: {  	_ = 	snop  }
0x90: {  	s2 =	sld [smem:$0x3FD0];
	(tm) =	ssettm $0x1  }
0x91: {  	s18 =	sld [smem:$0x3FFB];
	_ =	sdelay $0x3  }
0x92: {  	_ =	strace s18  }
0x93: {  	s3 =	sld [smem:$0x3FFC];
	_ =	sdelay $0x3  }
0x94: {  	_ =	strace s3  }
0x95: {  	s3 =	sld [smem:$0x3FFD];
	_ =	sdelay $0x3  }
0x96: {  	_ =	strace s3  }
0x97: {  	_ =	strace $0x8FFFFFFF  }
0x98: {  	s19 =	sld [smem:$0x3FDB];
	_ =	sdelay $0x1  }
0x99: {  	s4 =	simm.s32 $_scs_section_size  }
0x9a: {  	s5 =	simm.s32 $_size__tile_overlayer_lowered;
	s6 =	simm.s32 $_tile_overlayer_lowered  }
0x9b: {  	s22 =	simm.s32 $0x1BFF;
	s21 =	sshll.u32 s6, $0x1;
	s3 =	sadd.s32 s4, s19  }
0x9c: {  	s7 =	simm.s32 $0x0;
	s20 =	sshll.u32 s5, $0x1;
	s5 =	sadd.s32 s21, s3  }
0x9d: {  	[timem:s7], [sflag:s22] =	dma.local [hbm:s5], s20  }
0x9e: {  	_ =	swait.ge [sflag:s22], s20  }
0x9f: {  	s4 =	ssub.s32 $0x0, s20;
	[sflag:s22] =	ssyncset.done $0x0  }
0xa0: {  	[sflag:s22] =	ssyncadd.s32 s4;
	_ =	sdelay $0x1  }
0xa1: {  	s23 =	simm.s32 $0x1B8B  }
0xa2: {  	_ =	swait.ge [sflag:s23], $0x1  }
0xa3: {  	[sflag:s23] =	ssyncset.done $0x0  }
0xa4: {  	s25 =	simm.s32 $0x1B8E;
	s24 =	sld [smem:$0x3FFE];
	[sflag:s23] =	ssyncadd.s32 $0xFFFFFFFF  }
0xa5: {  	s26 =	simm.s32 $execute0_lowered;
	[smem:$0x3FD2] =	sst s25  }
0xa6: {  	s5 =	sshll.u32 s26, $0x1;
	_ =	strace $0x80000046;
	[dreg:$0x1] =	wrdreg $0xFFFFFFFF  }
0xa7: {  	s28 =	simm.s32 $_size_execute0_lowered;
	s3 =	sadd.s32 s3, s5;
	[dreg:$0x0] =	wrdreg $0x0  }
0xa8: {  	s5 =	sshll.u32 s28, $0x1;
	[dreg:$0x2] =	wrdreg s3  }
0xa9: {  	[dreg:$0x3] =	wrdreg s5  }
0xaa: {  	[dreg:$0x4] =	wrdreg $0xC0  }
0xab: {  	_ =	task [dreg:s7], $0x5FFFF  }
0xac: {  	[dreg:$0x1] =	wrdreg $0xFFFFFFFF  }
0xad: {  	[dreg:$0x0] =	wrdreg $0x60  }
0xae: {  	[dreg:$0x2] =	wrdreg s24  }
0xaf: {  	[dreg:$0x3] =	wrdreg s2  }
0xb0: {  	[dreg:$0x4] =	wrdreg $0x9  }
0xb1: {  	_ =	task.clear_ibuf [dreg:s7], $0x5FFFF;
	_ =	strace $0x90000046  }
0xb2: {  	s29 =	simm.s32 $0x9;
	_ =	strace $0x80000048  }
0xb3: {  	_ =	swait.ge [sflag:s29], $0x1  }
0xb4: {  	[sflag:s29] =	ssyncadd.s32 $0xFFFFFFFF  }
0xb5: {  	_ =	strace $0x90000048  }
0xb6: {  	_ =	sfence  }
0xb7: {  	s30 =	sld [smem:$0x0];
	_ =	sdelay $0x2  }
0xb8: {  	s31 =	sshll.u32 s1, $0xD;
	s1 =	sshrl.u32 s1, $0x2  }
0xb9: {  	s3 =	sand.u32 $0x4000, s31;
	s1 =	sadd.s32 s1, s30  }
0xba: {  	s0 =	sor.u32 s3, s0;
	s1 =	sshll.u32 s1, $0x11  }
0xbb: {  	s0 =	sor.u32 s1, s0  }
0xbc: {  	s0 =	sadd.s32 $0x8F2B, s0  }
0xbd: {  	[sflag:s0] =	ssyncadd.remote.s32 $0x1  }
0xbe: {  	_ =	sfence.sel $0xFFFF  }
0xbf: {  	[dreg:$0x0] =	wrdreg $0xFFFFFFFF;
	(pc) =	sbr.abs _section_cstart, $3  }
0xc0: {  	[dreg:$0x1] =	wrdreg $0xFFFFFFFF  }
0xc1: {  	_ =	task.clear_ibuf [dreg:s7], $0x2FFFF;
	_ =	strace $0x9FFFFFFF  }
0xc2: {  	(tm) =	ssettm $0x7FFFFFFF  }
0xc3: {  	_ =	shalt  }
tec
execute0_lowered:
.L_overlay_start_1:
0x0: {  	(tag) =	ssettag $0x1  }
0x1: {  	s3 =	rddreg [dreg:$0x0]  }
0x2: {  	s5 =	rddreg [dreg:$0x1];
	s1 =	stileid.u32  }
0x3: {  	s2 =	simm.s32 $0x0;
	s4 =	srdreg.scid;
	s6 =	smul.u32 $0x19000, s1  }
0x4: {  	[smem:$0x7FF] =	sst s2;
	s4 =	sand.u32 $0x1, s4;
	s10 =	smul.u32 $0x1900, s1  }
0x5: {  	s0 =	rddreg [dreg:$0x2];
	_ =	strace $0x80000047;
	s8 =	smul.u32 $0xC800, s4  }
0x6: {  	s7 =	ssub.s32 $0x2, s4;
	s30 =	smul.u32 $0xC80, s4;
	s6 =	sadd.s32 s6, s3  }
0x7: {  	s9 =	sshrl.u32 s7, $0x1;
	s3 =	sadd.s32 $0xC00, s3;
	s31 =	sadd.s32 s10, s5  }
0x8: {  	s10 =	simm.s32 $0x0;
	s7 =	ssub.s32 s7, s9;
	s6 =	sadd.s32 s8, s6  }
0x9: {  	s8 =	simm.s32 $0x400;
	s9 =	simm.s32 $0x1;
	s4 =	smax.u32 s7, $0x1  }
0xa: {  	s5 =	sadd.s32 $0x1E9200, s6;
	s6 =	sadd.s32 s30, s31;
	s7 =	simm.s32 $0x2  }
.LBB2_1:
0xb: {  	s11 =	sadd.s32 $0x0, s6  }
0xc: {  	[tilespmem:s2], [sflag:$0x2] =	stream.linear.gather [hbm4b:s11+s2], $0x400, $0x38;
	[tilespmem:$0x4400] =	vst v63  }
0xd: {  	_ =	swait.ge [sflag:s7], $0x400  }
0xe: {  	[sflag:s7] =	ssyncset.done $0x0  }
0xf: {  	[sflag:s7] =	ssyncadd.s32 $0xFFFFFC00  }
0x10: {  	[tilespmem:s8], [sflag:$0x1] =	stream.indirect.gather [hbm4b:s3+s8], $0x10, s2, s8, $0xb8;
	[tilespmem:$0x4400] =	vst v63  }
0x11: {  	_ =	swait.ge [sflag:s9], $0x4000  }
0x12: {  	[sflag:s9] =	ssyncset.done $0x0  }
0x13: {  	[sflag:s9] =	ssyncadd.s32 $0xFFFFC000  }
0x14: {  	[hbm4b:s5+s2] =	stream.linear.scatter [tilespmem:s8], [sflag:$0x2], $0x4000, $0x38;
	[tilespmem:$0x4400] =	vst v63  }
0x15: {  	s12 =	simm.s32 $0x80;
	_ =	swait.ge [sflag:s7], $0x4000  }
0x16: {  	s13 =	simm.s32 $0x100;
	s11 =	sadd.s32 $0x800, s5;
	[sflag:s7] =	ssyncset.done $0x0  }
.LBB2_2:
0x17: {  	s14 =	sadd.s32 s12, s6  }
0x18: {  	[sflag:s7] =	ssyncadd.s32 $0xFFFFC000;
	s12 =	smov.u32 s13;
	s15 =	sadd.s32 $0x80, s13  }
0x19: {  	[tilespmem:s2], [sflag:$0x2] =	stream.linear.gather [hbm4b:s14+s2], $0x400, $0x38;
	[tilespmem:$0x4400] =	vst v63  }
0x1a: {  	p0 =	sne.s32 s13, $0xC00;
	_ =	swait.ge [sflag:s7], $0x400  }
0x1b: {  	[sflag:s7] =	ssyncset.done $0x0  }
0x1c: {  	[sflag:s7] =	ssyncadd.s32 $0xFFFFFC00  }
0x1d: {  	[tilespmem:s8], [sflag:$0x1] =	stream.indirect.gather [hbm4b:s3+s8], $0x10, s2, s8, $0xb8;
	[tilespmem:$0x4400] =	vst v63  }
0x1e: {  	_ =	swait.ge [sflag:s9], $0x4000  }
.Ltmp0:
0x1f: {  	[sflag:s9] =	ssyncset.done $0x0;
	(pc) =	sbr.rel @p0 .LBB2_2-.Ltmp0, $4  }
0x20: {  	[sflag:s9] =	ssyncadd.s32 $0xFFFFC000  }
0x21: {  	[hbm4b:s11+s2] =	stream.linear.scatter [tilespmem:s8], [sflag:$0x2], $0x4000, $0x38;
	[tilespmem:$0x4400] =	vst v63  }
0x22: {  	_ =	swait.ge [sflag:s7], $0x4000  }
0x23: {  	s13 =	smov.u32 s15;
	s11 =	sadd.s32 $0x800, s11;
	[sflag:s7] =	ssyncset.done $0x0  }
0x24: {  	s12 =	sadd.s32 s12, s6;
	[sflag:s7] =	ssyncadd.s32 $0xFFFFC000  }
0x25: {  	[tilespmem:s2], [sflag:$0x2] =	stream.linear.gather [hbm4b:s12+s2], $0x400, $0x38;
	[tilespmem:$0x4400] =	vst v63  }
0x26: {  	_ =	swait.ge [sflag:s7], $0x400  }
0x27: {  	[sflag:s7] =	ssyncset.done $0x0  }
0x28: {  	[sflag:s7] =	ssyncadd.s32 $0xFFFFFC00  }
0x29: {  	[tilespmem:s8], [sflag:$0x1] =	stream.indirect.gather [hbm4b:s3+s8], $0x10, s2, s8, $0xb8;
	[tilespmem:$0x4400] =	vst v63  }
0x2a: {  	s10 =	sadd.s32 $0x1, s10;
	_ =	swait.ge [sflag:s9], $0x4000  }
0x2b: {  	p0 =	sne.s32 s10, s4;
	[sflag:s9] =	ssyncset.done $0x0  }
.Ltmp1:
0x2c: {  	[sflag:s9] =	ssyncadd.s32 $0xFFFFC000;
	(pc) =	sbr.rel @p0 .LBB2_1-.Ltmp1, $4  }
0x2d: {  	[hbm4b:s11+s2] =	stream.linear.scatter [tilespmem:s8], [sflag:$0x2], $0x4000, $0x38;
	[tilespmem:$0x4400] =	vst v63  }
0x2e: {  	_ =	swait.ge [sflag:s7], $0x4000  }
0x2f: {  	[sflag:s7] =	ssyncset.done $0x0  }
0x30: {  	[sflag:s7] =	ssyncadd.s32 $0xFFFFC000  }
0x31: {  	_ =	sfence.sel $0x180000  }
0x32: {  	[bflag:$0x0] =	sbarrier.arrive $0xFFFF  }
0x33: {  	p0 =	sne.s32 s1, $0x0;
	_ =	strace $0x90000047  }
0x34: {  	s0 =	sadd.s32 @!p0 $0x100000, s0;
	[bflag:$0x2] =	sbarrier.arrive $0xFFFF  }
0x35: {  	[sflag:s0] =	ssyncadd.tile.s32 @!p0 $0x1;
	_ =	shalt  }
.Lfunc_end2:
_tile_overlayer_lowered:
.L_overlay_start_2:
0x36: {  	(tag) =	ssettag $0x2  }
0x37: {  	s0 =	rddreg [dreg:$0x0];
	s2 =	stileid.u32  }
0x38: {  	s1 =	rddreg [dreg:$0x1];
	p0 =	sne.s32 s2, $0x0  }
0x39: {  	s3 =	rddreg [dreg:$0x2];
	[bflag:$0x3] =	sbarrier.arrive $0xFFFF;
	s2 =	simm.s32 @!p0 $0x1C02  }
0x3a: {  	[timem:s3], [sflag:s2] =	dma.local @!p0 [hbm:s0], s1  }
0x3b: {  	s0 =	simm.s32 @!p0 $0x2  }
0x3c: {  	_ =	swait.ge @!p0 [sflag:s0], s1  }
0x3d: {  	s1 =	ssub.s32 @!p0 $0x0, s1;
	[sflag:s0] =	ssyncset.done @!p0 $0x0  }
0x3e: {  	[sflag:s0] =	ssyncadd.s32 @!p0 s1  }
0x3f: {  	[bflag:$0x3] =	sbarrier.arrive $0xFFFF  }
0x40: {  	_ =	shalt  }

// kernel: sparse-core-data-format-call.cloned.1.call-start
scs
called_computation_lowered:
.L_overlay_start_0:
0x0: {  	s2 =	sld [smem:$0x3FD9]  }
0x1: {  	s3 =	sld [smem:$0x3FFE];
	_ =	sdelay $0x1  }
0x2: {  	s1 =	srdreg.scid  }
0x3: {  	s0 =	sand.u32 $0x1, s1  }
0x4: {  	s18 =	sshll.u32 s0, $0xA;
	s2 =	sadd.s32 s3, s2  }
0x5: {  	s2 =	sadd.s32 s2, s18  }
0x6: {  	[smem:$0x3FC6] =	sst s2  }
0x7: {  	_ = 	snop  }
0x8: {  	s2 =	sld [smem:$0x3FD0];
	(tm) =	ssettm $0x1  }
0x9: {  	s19 =	sld [smem:$0x3FFB];
	_ =	sdelay $0x3  }
0xa: {  	_ =	strace s19  }
0xb: {  	s3 =	sld [smem:$0x3FFC];
	_ =	sdelay $0x3  }
0xc: {  	_ =	strace s3  }
0xd: {  	s3 =	sld [smem:$0x3FFD];
	_ =	sdelay $0x3  }
0xe: {  	_ =	strace s3  }
0xf: {  	_ =	strace $0x8FFFFFFF  }
0x10: {  	s20 =	sld [smem:$0x3FDB];
	_ =	sdelay $0x1  }
0x11: {  	s4 =	simm.s32 $_scs_section_size  }
0x12: {  	s5 =	simm.s32 $_size__tile_overlayer_lowered;
	s6 =	simm.s32 $_tile_overlayer_lowered  }
0x13: {  	s23 =	simm.s32 $0x1BFF;
	s22 =	sshll.u32 s6, $0x1;
	s3 =	sadd.s32 s4, s20  }
0x14: {  	s7 =	simm.s32 $0x0;
	s21 =	sshll.u32 s5, $0x1;
	s5 =	sadd.s32 s22, s3  }
0x15: {  	[timem:s7], [sflag:s23] =	dma.local [hbm:s5], s21  }
0x16: {  	_ =	swait.ge [sflag:s23], s21  }
0x17: {  	s4 =	ssub.s32 $0x0, s21;
	[sflag:s23] =	ssyncset.done $0x0  }
0x18: {  	[sflag:s23] =	ssyncadd.s32 s4;
	_ =	sdelay $0x1  }
0x19: {  	s24 =	simm.s32 $0x1B8B  }
0x1a: {  	_ =	swait.ge [sflag:s24], $0x1  }
0x1b: {  	[sflag:s24] =	ssyncset.done $0x0  }
0x1c: {  	s26 =	simm.s32 $0x1B8E;
	s25 =	sld [smem:$0x3FFE];
	[sflag:s24] =	ssyncadd.s32 $0xFFFFFFFF  }
0x1d: {  	s27 =	simm.s32 $execute0_lowered;
	[smem:$0x3FD2] =	sst s26  }
0x1e: {  	s5 =	sshll.u32 s27, $0x1;
	_ =	strace $0x80000049;
	[dreg:$0x1] =	wrdreg $0xFFFFFFFF  }
0x1f: {  	s28 =	simm.s32 $_size_execute0_lowered;
	s3 =	sadd.s32 s3, s5;
	[dreg:$0x0] =	wrdreg $0x0  }
0x20: {  	s5 =	sshll.u32 s28, $0x1;
	[dreg:$0x2] =	wrdreg s3  }
0x21: {  	[dreg:$0x3] =	wrdreg s5  }
0x22: {  	[dreg:$0x4] =	wrdreg $0xC0  }
0x23: {  	_ =	task [dreg:s7], $0x5FFFF  }
0x24: {  	[dreg:$0x1] =	wrdreg $0xFFFFFFFF  }
0x25: {  	[dreg:$0x0] =	wrdreg $0x60  }
0x26: {  	[dreg:$0x2] =	wrdreg s25  }
0x27: {  	[dreg:$0x3] =	wrdreg s2  }
0x28: {  	[dreg:$0x4] =	wrdreg $0x9  }
0x29: {  	_ =	task.clear_ibuf [dreg:s7], $0x5FFFF;
	_ =	strace $0x90000049  }
0x2a: {  	s29 =	simm.s32 $0x9;
	_ =	strace $0x8000004B  }
0x2b: {  	_ =	swait.ge [sflag:s29], $0x1  }
0x2c: {  	[sflag:s29] =	ssyncadd.s32 $0xFFFFFFFF  }
0x2d: {  	_ =	strace $0x9000004B  }
0x2e: {  	_ =	sfence  }
0x2f: {  	s30 =	sld [smem:$0x0];
	_ =	sdelay $0x2  }
0x30: {  	s31 =	sshll.u32 s1, $0xD;
	s1 =	sshrl.u32 s1, $0x2  }
0x31: {  	s3 =	sand.u32 $0x4000, s31;
	s1 =	sadd.s32 s1, s30  }
0x32: {  	s0 =	sor.u32 s3, s0;
	s1 =	sshll.u32 s1, $0x11  }
0x33: {  	s0 =	sor.u32 s1, s0  }
0x34: {  	s0 =	sadd.s32 $0x8F2B, s0  }
0x35: {  	[sflag:s0] =	ssyncadd.remote.s32 $0x1  }
0x36: {  	_ =	sfence.sel $0xFFFF  }
0x37: {  	[dreg:$0x0] =	wrdreg $0xFFFFFFFF;
	(pc) =	sbr.abs _section_cstart, $3  }
0x38: {  	[dreg:$0x1] =	wrdreg $0xFFFFFFFF  }
0x39: {  	_ =	task.clear_ibuf [dreg:s7], $0x2FFFF;
	_ =	strace $0x9FFFFFFF  }
0x3a: {  	(tm) =	ssettm $0x7FFFFFFF  }
0x3b: {  	_ =	shalt  }
tec
execute0_lowered:
.L_overlay_start_1:
0x0: {  	(tag) =	ssettag $0x1  }
0x1: {  	s3 =	rddreg [dreg:$0x0]  }
0x2: {  	s0 =	srdreg.scid;
	s1 =	rddreg [dreg:$0x1]  }
0x3: {  	s5 =	simm.s32 $0x1;
	s7 =	simm.s32 $0x2;
	s17 =	simm.s32 $0x0  }
0x4: {  	p0 =	por $0x0, $0x0;
	s16 =	simm.s32 $0x0;
	s18 =	simm.s32 $0x0  }
0x5: {  	s9 =	simm.s32 $0x0;
	s10 =	simm.s32 $0x0;
	s11 =	simm.s32 $0x0  }
0x6: {  	s12 =	simm.s32 $0x0;
	s14 =	stileid.u32;
	s0 =	sshll.u32 s0, $0x7  }
0x7: {  	s15 =	simm.s32 $0x0;
	s2 =	sand.u32 $0x80, s0;
	s0 =	rddreg [dreg:$0x2]  }
.Ltmp0:
0x8: {  	_ =	strace $0x8000004A;
	s6 =	ssub.s32 $0x1000, s2;
	(pc) =	sbr.rel .LBB1_1-.Ltmp0, $4  }
0x9: {  	s4 =	sadd.s32 $0xC00, s3;
	[sflag:s5] =	ssyncpa.u1 $0x0;
	s31 =	sshrl.u32 s6, $0x7  }
0xa: {  	s13 =	smov.u32 s2;
	s6 =	sshrl.u32 s6, $0x8;
	s3 =	sand.u32 $0x1, s31  }
0xb: {  	[sflag:s7] =	ssyncpa.u1 $0x0;
	s8 =	sadd.s32 s6, s3;
	s3 =	stileid.u32  }
0xc: {  	s6 =	sshll.u32 s8, $0x1;
	s7 =	sshllo.u32 s8, $0x1;
	s8 =	simm.s32 $0x10000  }
.LBB1_4:
0xd: {  	s23 =	sshra.s32 s23, $0x2  }
0xe: {  	s28 =	sand.u32 $0x78, s10;
	s24 =	sshll.u32 s11, $0x7;
	p1 =	sgt.s32 s11, $0xF  }
0xf: {  	s25 =	smov.u32 s11;
	s26 =	sshra.s32 s11, $0x1F;
	s27 =	smov.u32 s9  }
0x10: {  	s30 =	sshll.u32 s11, $0xC;
	s31 =	sshra.s32 s9, $0x1F;
	s22 =	sadd.s32 s23, s22  }
0x11: {  	s24 =	sand.u32 $0x380, s24;
	s25 =	simm.s32 @!p1 $0xF;
	p1 =	sgt.s32 s9, $0x48  }
0x12: {  	s26 =	sand.u32 s26, s11;
	s23 =	sor.u32 s24, s28;
	s27 =	simm.s32 @!p1 $0x48  }
0x13: {  	s24 =	ssub.s32 s25, s26;
	p1 =	sgt.s32 s10, $0xF80;
	s26 =	smov.u32 s10  }
0x14: {  	v5 =	vld [tilespmem:s20+$0xFFFFFFD0];
	[tilespmem:s21+$0x2040 ss:$0x81] =	vst.msk $0xffff, v4;
	s28 =	sshra.s32 s10, $0x1F;
	s25 =	sadd.s32 $0xFFFFFFF1, s24;
	s26 =	simm.s32 @!p1 $0xF80  }
0x15: {  	v58 =	vld [tilespmem:s20+$0xFFFFFFE0];
	[tilespmem:s21+$0x2850 ss:$0x81] =	vst.msk $0xffff, v3;
	s29 =	sand.u32 s28, s10;
	s28 =	sand.u32 $0x8000, s30;
	s24 =	ssub.s32 $0x10, s24  }
0x16: {  	v59 =	vld [tilespmem:s20+$0xFFFFFFF0];
	[tilespmem:s21+$0x3060 ss:$0x81] =	vst.msk $0xffff, v2;
	p1 =	sgt.s32 s25, $0x0;
	s25 =	ssub.s32 s26, s29;
	s26 =	sand.u32 s31, s9  }
0x17: {  	[tilespmem:s21+$0x0 ss:$0x81] =	vst.msk $0xffff, v1;
	v60 =	vld [tilespmem:s20+$0x0];
	s30 =	sshll.u32 s10, $0x3;
	s21 =	ssub.s32 s27, s26;
	s24 =	simm.s32 @p1 $0x0  }
0x18: {  	v61 =	vld [tilespmem:s20+$0x10];
	[tilespmem:s22+$0x3870 ss:$0x81] =	vst.msk $0xffff, v0;
	s27 =	sadd.s32 $0xFFFFF080, s25;
	s25 =	ssub.s32 $0x1000, s25;
	s26 =	sadd.s32 s28, s30  }
0x19: {  	v62 =	vld [tilespmem:s20+$0x20];
	[tilespmem:s22+$0x810 ss:$0x81] =	vst.msk $0xffff, v5;
	p1 =	sgt.s32 s27, $0x7F;
	s29 =	sadd.s32 $0xFFFFFFB8, s21;
	s21 =	ssub.s32 $0xC8, s21  }
0x1a: {  	v63 =	vld [tilespmem:s20+$0xFFFFFFC0];
	[tilespmem:s22+$0x1020 ss:$0x81] =	vst.msk $0xffff, v58;
	s27 =	sshll.u32 s9, $0xD;
	s28 =	sshrl.u32 s26, $0x3;
	s25 =	simm.s32 @p1 $0x0  }
0x1b: {  	[tilespmem:s22+$0x1830 ss:$0x81] =	vst.msk $0xffff, v59;
	p1 =	sgt.s32 s29, $0x7F;
	s29 =	sand.u32 $0x7, s10;
	s31 =	smul.u32 s24, s25  }
0x1c: {  	[tilespmem:s22+$0x2040 ss:$0x81] =	vst.msk $0xffff, v60;
	s25 =	sand.u32 $0xC00, s30;
	s21 =	simm.s32 @p1 $0x0;
	s24 =	sand.u32 $0x1E00, s28  }
0x1d: {  	[tilespmem:s22+$0x2850 ss:$0x81] =	vst.msk $0xffff, v61;
	s23 =	sor.u32 s25, s23;
	s20 =	smul.u32 s21, s31;
	s21 =	sadd.s32 s1, s27  }
0x1e: {  	[tilespmem:s22+$0x3060 ss:$0x81] =	vst.msk $0xffff, v62;
	s30 =	sshll.u32 s29, $0x12;
	s23 =	sshrl.u32 s23, $0x3;
	s21 =	sadd.s32 s24, s21  }
0x1f: {  	[tilespmem:s22+$0x0 ss:$0x81] =	vst.msk $0xffff, v63;
	s31 =	sor.u32 $0x80, s30;
	s20 =	sand.u32 $0x3FFFFFFF, s20;
	s21 =	sadd.s32 s23, s21  }
0x20: {  	[hbm4b:s21+s31] =	stream.strided.scatter [tilespmem:s19], [sflag:$0x2], s20, s8, s31, $0x20;
	[tilespmem:$0x10100] =	vst v63  }
.LBB1_5:
0x21: {  	p1 =	slt.u32 s15, $0x2;
	s20 =	smov.u32 s18  }
0x22: {  	p2 =	sgt.s32 @!p1 s17, $0x48;
	s19 =	sshra.s32 @!p1 s17, $0x1F;
	p3 =	sgt.s32 @!p1 s18, $0xF  }
0x23: {  	s21 =	sshra.s32 @!p1 s18, $0x1F;
	p2 =	por !p2, p1;
	s19 =	sand.u32 @!p1 s19, s17  }
0x24: {  	p3 =	por !p3, p1;
	s18 =	sand.u32 @!p1 s21, s18;
	s21 =	sshra.s32 @!p1 s16, $0x1F  }
0x25: {  	s20 =	simm.s32 @p3 $0xF;
	p3 =	sgt.s32 @!p1 s16, $0xF80;
	s17 =	simm.s32 @p2 $0x48  }
0x26: {  	s18 =	ssub.s32 @!p1 s20, s18;
	p3 =	por !p3, p1;
	s20 =	smov.u32 s16  }
0x27: {  	s16 =	sand.u32 @!p1 s21, s16;
	s17 =	ssub.s32 @!p1 s17, s19;
	s20 =	simm.s32 @p3 $0xF80  }
0x28: {  	s19 =	sadd.s32 @!p1 $0xFFFFFFF1, s18;
	s18 =	ssub.s32 @!p1 $0x10, s18;
	s16 =	ssub.s32 @!p1 s20, s16  }
0x29: {  	s20 =	sadd.s32 @!p1 $0xFFFFFFB8, s17;
	p2 =	sgt.s32 @!p1 s19, $0x0;
	s19 =	sadd.s32 @!p1 $0xFFFFF080, s16  }
0x2a: {  	s17 =	ssub.s32 @!p1 $0xC8, s17;
	p2 =	por !p2, p1;
	p3 =	sgt.s32 @!p1 s19, $0x7F  }
0x2b: {  	s16 =	ssub.s32 @!p1 $0x1000, s16;
	s18 =	simm.s32 @!p2 $0x0;
	p2 =	por !p3, p1  }
0x2c: {  	s19 =	sadd.s32 $0x80, s12;
	p3 =	sgt.s32 @!p1 s20, $0x7F;
	s16 =	simm.s32 @!p2 $0x0  }
0x2d: {  	s20 =	smov.u32 s13;
	p2 =	por !p3, p1;
	s16 =	smul.u32 @!p1 s18, s16  }
0x2e: {  	s17 =	simm.s32 @!p2 $0x0;
	p2 =	sgt.s32 s19, $0xC7;
	s18 =	sadd.s32 $0x100, s13  }
0x2f: {  	s21 =	smov.u32 s14;
	s20 =	smov.u32 @p2 s18  }
0x30: {  	s16 =	smul.u32 @!p1 s17, s16;
	p3 =	sgt.s32 s20, $0xFFF;
	s17 =	sadd.s32 $0x10, s14  }
0x31: {  	p0 =	por !p0, !p0;
	s22 =	simm.s32 @!p1 $0x2;
	s21 =	smov.u32 @p3 s17  }
0x32: {  	s19 =	simm.s32 @p2 $0x0;
	s18 =	smov.u32 s11;
	p2 =	sgt.s32 s21, $0xF  }
0x33: {  	s11 =	smov.u32 s14;
	s21 =	smov.u32 @p2 s3;
	p2 =	sne.s32 s15, s7  }
.Ltmp1:
0x34: {  	s20 =	smov.u32 @p3 s2;
	s17 =	smov.u32 s9;
	(pc) =	sbr.rel @!p2 .LBB1_6-.Ltmp1, $4  }
0x35: {  	s9 =	smov.u32 s12;
	s12 =	smov.u32 s19;
	s16 =	sand.u32 @!p1 $0x3FFFFFFF, s16  }
0x36: {  	_ =	swait.ge @!p1 [sflag:s22], s16;
	s23 =	ssub.s32 @!p1 $0x0, s16;
	s16 =	smov.u32 s10  }
0x37: {  	s15 =	sadd.s32 $0x1, s15;
	s10 =	smov.u32 s13;
	[sflag:s22] =	ssyncset.done @!p1 $0x0  }
0x38: {  	s13 =	smov.u32 s20;
	s14 =	smov.u32 s21;
	[sflag:s22] =	ssyncadd.s32 @!p1 s23  }
.LBB1_1:
0x39: {  	p1 =	sge.u32 s15, s6  }
0x3a: {  	s31 =	sadd.s32 $0xFFFFFFFF, s15;
	s19 =	sxor.u32 @!p1 $0xFFFFFFFF, s15  }
0x3b: {  	s20 =	sshll.u32 @!p1 s13, $0x8;
	s21 =	sshll.u32 @!p1 s12, $0x3;
	s22 =	sshll.u32 @!p1 s13, $0x7  }
0x3c: {  	s23 =	sand.u32 @!p1 $0x78, s12;
	s20 =	sand.u32 @!p1 $0xFF800, s20;
	s21 =	sand.u32 @!p1 $0xFFC00, s21  }
0x3d: {  	s19 =	sshll.u32 @!p1 s19, $0xE;
	s20 =	sadd.s32 @!p1 s20, s21;
	s21 =	sand.u32 @!p1 $0x300, s22  }
0x3e: {  	s19 =	sand.u32 @!p1 $0x4000, s19;
	s20 =	sor.u32 @!p1 s21, s20;
	s21 =	sand.u32 @!p1 $0x80, s22  }
0x3f: {  	s22 =	sshll.u32 @!p1 s14, $0x11;
	s21 =	sor.u32 @!p1 s23, s21;
	s20 =	sshrl.u32 @!p1 s20, $0x3  }
0x40: {  	s22 =	sadd.s32 @!p1 s4, s22;
	s23 =	sand.u32 @!p1 $0x7, s12;
	s21 =	sshrl.u32 @!p1 s21, $0x3  }
0x41: {  	s20 =	sand.u32 @!p1 $0x1FFE0, s20;
	s21 =	sadd.s32 @!p1 s21, s22;
	s22 =	sshll.u32 @!p1 s23, $0x12  }
0x42: {  	s20 =	sadd.s32 @!p1 s20, s21;
	s21 =	sor.u32 @!p1 $0x400, s22;
	s22 =	simm.s32 @!p1 $0x800  }
0x43: {  	[tilespmem:s19], [sflag:$0x1] =	stream.strided.gather @!p1 [hbm4b:s20+s21], $0x4000, s22, s21, $0x38;
	[tilespmem:$0x10100] =	vst v63  }
0x44: {  	p1 =	sge.u32 s31, s6  }
.Ltmp2:
0x45: {  	_ = 	snop;
	(pc) =	sbr.rel @p1 .LBB1_5-.Ltmp2, $1  }
0x46: {  	_ =	sdelay $0x3  }
0x47: {  	s19 =	simm.s32 $0x1  }
0x48: {  	_ =	swait.ge [sflag:s5], $0x4000;
	s19 =	simm.s32 @!p0 $0x0  }
0x49: {  	[sflag:s5] =	ssyncset.done $0x0;
	s20 =	sshll.u32 s19, $0xE  }
0x4a: {  	[sflag:s5] =	ssyncadd.s32 $0xFFFFC000;
	s20 =	sor.u32 $0x40, s20  }
0x4b: {  	s19 =	smul.u32 $0x10200, s19;
	v0 =	vld [tilespmem:s20+$0x30]  }
0x4c: {  	v1 =	vld [tilespmem:s20+$0xFFFFFFD0]  }
0x4d: {  	s19 =	sshrl.u32 s19, $0x2;
	v5 =	vld [tilespmem:s20+$0xFFFFFFE0]  }
0x4e: {  	v6 =	vld [tilespmem:s20+$0xFFFFFFF0];
	s22 =	sor.u32 $0x8000, s19  }
0x4f: {  	s31 =	sand.u32 $0x1, s15;
	v4 =	vld [tilespmem:s20+$0x0];
	s21 =	sadd.s32 $0x0, s22  }
0x50: {  	v3 =	vld [tilespmem:s20+$0x10];
	s19 =	smul.u32 $0x10200, s31;
	[tilespmem:s21+$0x3870 ss:$0x81] =	vst.msk $0xffff, v0  }
0x51: {  	v2 =	vld [tilespmem:s20+$0x20];
	[tilespmem:s21+$0x810 ss:$0x81] =	vst.msk $0xffff, v1  }
0x52: {  	s19 =	sshrl.u32 s19, $0x2;
	v1 =	vld [tilespmem:s20+$0xFFFFFFC0];
	[tilespmem:s21+$0x1020 ss:$0x81] =	vst.msk $0xffff, v5;
	s20 =	sadd.s32 $0x80, s20  }
0x53: {  	s23 =	simm.s32 $0x4;
	s24 =	simm.s32 $0x8;
	s19 =	sor.u32 $0x8000, s19;
	[tilespmem:s21+$0x1830 ss:$0x81] =	vst.msk $0xffff, v6;
	v0 =	vld [tilespmem:s20+$0x30]  }
.LBB1_3:
0x54: {  	p1 =	sne.s32 s24, $0x1FC;
	v5 =	vld [tilespmem:s20+$0xFFFFFFD0];
	[tilespmem:s21+$0x2040 ss:$0x81] =	vst.msk $0xffff, v4  }
0x55: {  	v6 =	vld [tilespmem:s20+$0xFFFFFFE0];
	[tilespmem:s21+$0x2850 ss:$0x81] =	vst.msk $0xffff, v3  }
0x56: {  	s25 =	sshra.s32 s23, $0x2;
	s23 =	smov.u32 s24;
	v7 =	vld [tilespmem:s20+$0xFFFFFFF0];
	[tilespmem:s21+$0x3060 ss:$0x81] =	vst.msk $0xffff, v2  }
.Ltmp3:
0x57: {  	v4 =	vld [tilespmem:s20+$0x0];
	[tilespmem:s21+$0x0 ss:$0x81] =	vst.msk $0xffff, v1;
	s21 =	sadd.s32 s25, s22;
	(pc) =	sbr.rel @p1 .LBB1_3-.Ltmp3, $4  }
0x58: {  	v3 =	vld [tilespmem:s20+$0x10];
	[tilespmem:s21+$0x3870 ss:$0x81] =	vst.msk $0xffff, v0  }
0x59: {  	[tilespmem:s21+$0x810 ss:$0x81] =	vst.msk $0xffff, v5;
	v2 =	vld [tilespmem:s20+$0x20]  }
0x5a: {  	v1 =	vld [tilespmem:s20+$0xFFFFFFC0];
	[tilespmem:s21+$0x1020 ss:$0x81] =	vst.msk $0xffff, v6;
	s20 =	sadd.s32 $0x80, s20  }
0x5b: {  	s24 =	sadd.s32 $0x4, s24;
	v0 =	vld [tilespmem:s20+$0x30];
	[tilespmem:s21+$0x1830 ss:$0x81] =	vst.msk $0xffff, v7  }
.Ltmp4:
0x5c: {  	_ = 	snop;
	(pc) =	sbr.rel .LBB1_4-.Ltmp4, $1  }
0x5d: {  	_ =	sdelay $0x3  }
.LBB1_6:
0x5e: {  	_ =	sfence.sel $0x180000  }
0x5f: {  	s1 =	simm.s32 $0x1;
	[bflag:$0x0] =	sbarrier.arrive $0xFFFF  }
0x60: {  	s31 =	simm.s32 $0x2;
	[sflag:s1] =	ssyncpa.u1 $0x1  }
0x61: {  	[sflag:s31] =	ssyncpa.u1 $0x1  }
0x62: {  	p0 =	sne.s32 s3, $0x0;
	_ =	strace $0x9000004A  }
0x63: {  	s0 =	sadd.s32 @!p0 $0x100000, s0;
	[bflag:$0x2] =	sbarrier.arrive $0xFFFF  }
0x64: {  	[sflag:s0] =	ssyncadd.tile.s32 @!p0 $0x1;
	_ =	shalt  }
.Lfunc_end1:
_tile_overlayer_lowered:
.L_overlay_start_2:
0x65: {  	(tag) =	ssettag $0x2  }
0x66: {  	s0 =	rddreg [dreg:$0x0];
	s2 =	stileid.u32  }
0x67: {  	s1 =	rddreg [dreg:$0x1];
	p0 =	sne.s32 s2, $0x0  }
0x68: {  	s3 =	rddreg [dreg:$0x2];
	[bflag:$0x3] =	sbarrier.arrive $0xFFFF;
	s2 =	simm.s32 @!p0 $0x1C01  }
0x69: {  	[timem:s3], [sflag:s2] =	dma.local @!p0 [hbm:s0], s1  }
0x6a: {  	s0 =	simm.s32 @!p0 $0x1  }
0x6b: {  	_ =	swait.ge @!p0 [sflag:s0], s1  }
0x6c: {  	s1 =	ssub.s32 @!p0 $0x0, s1;
	[sflag:s0] =	ssyncset.done @!p0 $0x0  }
0x6d: {  	[sflag:s0] =	ssyncadd.s32 @!p0 s1  }
0x6e: {  	[bflag:$0x3] =	sbarrier.arrive $0xFFFF  }
0x6f: {  	_ =	shalt  }

</sc_bundles>
